<compile_context>
chip_gen: v7x
topology: tpu7x:2x2x1
jax: 0.10.2.dev20260603
libtpu: 0.0.44.dev20260713+nightly
codegen_flags: <defaults>
</compile_context>

<pallas_src>
import functools

import jax
import jax.numpy as jnp
from jax import lax
from jax.experimental import pallas as pl
from jax.experimental.pallas import tpu as pltpu
from jax.experimental.pallas import tpu_sc as plsc

DIM = 128
NC, NS = 2, 16
NW = NC * NS
B = 4096 * 50
BPW = B // NW
CH = 128
NCHUNK = BPW // CH
NBUF = 6

_mesh = plsc.VectorSubcoreMesh(core_axis_name="c", subcore_axis_name="s")


@functools.partial(
    pl.kernel,
    mesh=_mesh,
    out_type=jax.ShapeDtypeStruct((B, DIM), jnp.float32),
    scratch_types=[
        pltpu.VMEM((NCHUNK, CH), jnp.int32),
        pltpu.VMEM((NBUF, CH, DIM), jnp.float32),
    ]
    + [pltpu.SemaphoreType.DMA] * (2 * NBUF),
)
def _emb_gather(idx_hbm, table_hbm, out_hbm, idx_v, rows_v, *sems):
    gs, os_ = sems[:NBUF], sems[NBUF:]
    wid = lax.axis_index("s") * NC + lax.axis_index("c")
    obase = wid * BPW
    pltpu.sync_copy(idx_hbm.at[wid], idx_v)

    def gstart(j, b):
        pltpu.async_copy(table_hbm.at[idx_v.at[j]], rows_v.at[b], gs[b])

    def gwait(j, b):
        pltpu.make_async_copy(
            table_hbm.at[idx_v.at[j]], rows_v.at[b], gs[b]
        ).wait()

    def oslice(j):
        return out_hbm.at[pl.ds(pl.multiple_of(obase + j * CH, CH), CH)]

    def ostart(j, b):
        pltpu.async_copy(rows_v.at[b], oslice(j), os_[b])

    def owait(j, b):
        pltpu.make_async_copy(rows_v.at[b], oslice(j), os_[b]).wait()

    for j in range(NBUF):
        gstart(j, j)
    gwait(0, 0)
    ostart(0, 0)

    def grp(g, carry):
        for u in range(NBUF):
            j = 1 + g * NBUF + u
            b = (1 + u) % NBUF
            bp = (0 + u) % NBUF
            owait(j - 1, bp)

            @pl.when(j + NBUF - 1 < NCHUNK)
            def _():
                gstart(j + NBUF - 1, bp)

            gwait(j, b)
            ostart(j, b)
        return carry

    lax.fori_loop(0, (NCHUNK - 2) // NBUF, grp, 0)

    owait(NCHUNK - 2, (NCHUNK - 2) % NBUF)
    gwait(NCHUNK - 1, (NCHUNK - 1) % NBUF)
    ostart(NCHUNK - 1, (NCHUNK - 1) % NBUF)
    owait(NCHUNK - 1, (NCHUNK - 1) % NBUF)


def kernel(inputs, weight):
    n, s = inputs.shape
    idx = inputs.T.reshape(NW, NCHUNK, CH).astype(jnp.int32)
    out = _emb_gather(idx, weight)
    return out.reshape(s, n, DIM).transpose(1, 0, 2)

# --- scband reference (transcript-rebuilt; emitter-appended) ---
"""Pipeline reference for scband-embedding-layer-85985245266016 (READ-ONLY COPY).

The authoritative reference and input builder live on the scoring server;
editing this copy changes nothing except your own understanding.
"""

import jax, jax.numpy as jnp
import numpy as np

VOCAB = 100000
DIM = 128
DROPOUT = 0.0  # inference mode: dropout is identity


def setup_inputs(seed: int = 0) -> dict:
    key = jax.random.key(seed)
    k1, k2 = jax.random.split(key)
    inputs = jax.random.randint(k1, (4096, 50), 0, VOCAB)
    weight = jax.random.normal(k2, (VOCAB, DIM), dtype=jnp.float32)
    # nn.Embedding with padding_idx=0 initializes row 0 to zeros
    weight = weight.at[0].set(0.0)
    return {"inputs": inputs, "weight": weight}


def reference(inputs, weight):
    # inputs.dim() == 2 branch: emb = self.embeddings(inputs)
    emb = jnp.take(weight, inputs, axis=0)
    # F.dropout with p=0.0 (and eval mode) is identity
    return emb

if __name__ == "__main__":
    import jax
    _d = setup_inputs()
    print(jax.jit(kernel)(*tuple(_d.values())))

</pallas_src>

<mosaic_0001>
#map = affine_map<(d0, d1) -> (0, 0, 0)>
#map1 = affine_map<(d0, d1) -> (0, 0)>
module attributes {stable_mosaic.version = 14 : i64} {
  func.func @_emb_gather(%arg0: i32, %arg1: i32, %arg2: memref<32x50x128xi32, #tpu.memory_space<hbm>>, %arg3: memref<100000x128xf32, #tpu.memory_space<hbm>>, %arg4: memref<204800x128xf32, #tpu.memory_space<hbm>>, %arg5: memref<50x128xi32, #tpu.memory_space<vmem>>, %arg6: memref<6x128x128xf32, #tpu.memory_space<vmem>>, %arg7: memref<!tpu.dma_semaphore, #tpu.memory_space<semaphore_mem>>, %arg8: memref<!tpu.dma_semaphore, #tpu.memory_space<semaphore_mem>>, %arg9: memref<!tpu.dma_semaphore, #tpu.memory_space<semaphore_mem>>, %arg10: memref<!tpu.dma_semaphore, #tpu.memory_space<semaphore_mem>>, %arg11: memref<!tpu.dma_semaphore, #tpu.memory_space<semaphore_mem>>, %arg12: memref<!tpu.dma_semaphore, #tpu.memory_space<semaphore_mem>>, %arg13: memref<!tpu.dma_semaphore, #tpu.memory_space<semaphore_mem>>, %arg14: memref<!tpu.dma_semaphore, #tpu.memory_space<semaphore_mem>>, %arg15: memref<!tpu.dma_semaphore, #tpu.memory_space<semaphore_mem>>, %arg16: memref<!tpu.dma_semaphore, #tpu.memory_space<semaphore_mem>>, %arg17: memref<!tpu.dma_semaphore, #tpu.memory_space<semaphore_mem>>, %arg18: memref<!tpu.dma_semaphore, #tpu.memory_space<semaphore_mem>>) attributes {dimension_semantics = [#tpu.dimension_semantics<core_parallel>, #tpu.dimension_semantics<subcore_parallel>], iteration_bounds = array<i64: 2, 16>, scalar_prefetch = 0 : i64, scratch_operands = 14 : i64, tpu.core_type = #tpu.core_type<sc_vector_subcore>, window_params = [{transform_indices = #map}, {transform_indices = #map1}, {transform_indices = #map1}]} {
    %mul3A = arith.constant 2 : i32
    %mul3A_0 = arith.muli %arg1, %mul3A : i32
    %add3A = arith.addi %mul3A_0, %arg0 : i32
    %mul3A_1 = arith.constant 6400 : i32
    %mul3A_2 = arith.muli %add3A, %mul3A_1 : i32
    "tpu.region"() ({
      %run_scoped3A = tpu.sem_alloc : memref<!tpu.dma_semaphore, #tpu.memory_space<semaphore_mem>>
      %dma_start3A_165 = arith.constant 0 : i32
      %dma_start3A_166 = arith.constant 0 : i32
      %dma_start3A_167 = tpu.memref_slice %arg2[%add3A, %dma_start3A_165, %dma_start3A_166] : memref<32x50x128xi32, #tpu.memory_space<hbm>> -> memref<1x50x128xi32, #tpu.memory_space<hbm>>
      %dma_start3A_168 = tpu.memref_squeeze %dma_start3A_167 : memref<1x50x128xi32, #tpu.memory_space<hbm>> -> memref<50x128xi32, #tpu.memory_space<hbm>>
      %dma_start3A_169 = arith.constant 0 : i32
      %dma_start3A_170 = arith.constant 0 : i32
      %dma_start3A_171 = tpu.memref_slice %arg2[%add3A, %dma_start3A_169, %dma_start3A_170] : memref<32x50x128xi32, #tpu.memory_space<hbm>> -> memref<1x50x128xi32, #tpu.memory_space<hbm>>
      %dma_start3A_172 = tpu.memref_squeeze %dma_start3A_171 : memref<1x50x128xi32, #tpu.memory_space<hbm>> -> memref<50x128xi32, #tpu.memory_space<hbm>>
      tpu.enqueue_dma source(%dma_start3A_172 : memref<50x128xi32, #tpu.memory_space<hbm>>) target(%arg5 : memref<50x128xi32, #tpu.memory_space<vmem>>) target_semaphore(%run_scoped3A : memref<!tpu.dma_semaphore, #tpu.memory_space<semaphore_mem>>)
      %dma_wait3A_173 = arith.constant 0 : i32
      %dma_wait3A_174 = arith.constant 0 : i32
      %dma_wait3A_175 = tpu.memref_slice %arg2[%add3A, %dma_wait3A_173, %dma_wait3A_174] : memref<32x50x128xi32, #tpu.memory_space<hbm>> -> memref<1x50x128xi32, #tpu.memory_space<hbm>>
      %dma_wait3A_176 = tpu.memref_squeeze %dma_wait3A_175 : memref<1x50x128xi32, #tpu.memory_space<hbm>> -> memref<50x128xi32, #tpu.memory_space<hbm>>
      %dma_wait3A_177 = arith.constant 0 : i32
      %dma_wait3A_178 = arith.constant 0 : i32
      %dma_wait3A_179 = tpu.memref_slice %arg2[%add3A, %dma_wait3A_177, %dma_wait3A_178] : memref<32x50x128xi32, #tpu.memory_space<hbm>> -> memref<1x50x128xi32, #tpu.memory_space<hbm>>
      %dma_wait3A_180 = tpu.memref_squeeze %dma_wait3A_179 : memref<1x50x128xi32, #tpu.memory_space<hbm>> -> memref<50x128xi32, #tpu.memory_space<hbm>>
      tpu.wait_dma2 semaphore(%run_scoped3A : memref<!tpu.dma_semaphore, #tpu.memory_space<semaphore_mem>>) src(%dma_wait3A_180 : memref<50x128xi32, #tpu.memory_space<hbm>>) dst(%arg5 : memref<50x128xi32, #tpu.memory_space<vmem>>)
      tpu.yield
    }) : () -> ()
    %dma_start3A = arith.constant 0 : i32
    %dma_start3A_3 = arith.constant 0 : i32
    %dma_start3A_4 = arith.constant 0 : i32
    %dma_start3A_5 = arith.constant 0 : i32
    %dma_start3A_6 = tpu.memref_slice %arg6[%dma_start3A_3, %dma_start3A_4, %dma_start3A_5] : memref<6x128x128xf32, #tpu.memory_space<vmem>> -> memref<1x128x128xf32, #tpu.memory_space<vmem>>
    %dma_start3A_7 = tpu.memref_squeeze %dma_start3A_6 : memref<1x128x128xf32, #tpu.memory_space<vmem>> -> memref<128x128xf32, #tpu.memory_space<vmem>>
    %dma_start3A_8 = arith.constant 0 : i32
    %dma_start3A_9 = tpu.memref_slice %arg5[%dma_start3A, %dma_start3A_8] : memref<50x128xi32, #tpu.memory_space<vmem>> -> memref<1x128xi32, #tpu.memory_space<vmem>>
    %dma_start3A_10 = tpu.memref_squeeze %dma_start3A_9 : memref<1x128xi32, #tpu.memory_space<vmem>> -> memref<128xi32, #tpu.memory_space<vmem>>
    %dma_start3A_11 = arith.constant 0 : i32
    %dma_start3A_12 = arith.constant 0 : i32
    %dma_start3A_13 = tpu.memref_slice %arg3[%dma_start3A_11, %dma_start3A_12] : memref<100000x128xf32, #tpu.memory_space<hbm>> -> memref<100000x128xf32, #tpu.memory_space<hbm>>
    tpu.enqueue_indirect_dma source(%dma_start3A_13 : memref<100000x128xf32, #tpu.memory_space<hbm>>) target(%dma_start3A_7 : memref<128x128xf32, #tpu.memory_space<vmem>>) offsets(%dma_start3A_10 : memref<128xi32, #tpu.memory_space<vmem>>) semaphore(%arg7 : memref<!tpu.dma_semaphore, #tpu.memory_space<semaphore_mem>>)
    %dma_start3A_14 = arith.constant 1 : i32
    %dma_start3A_15 = arith.constant 1 : i32
    %dma_start3A_16 = arith.constant 0 : i32
    %dma_start3A_17 = arith.constant 0 : i32
    %dma_start3A_18 = tpu.memref_slice %arg6[%dma_start3A_15, %dma_start3A_16, %dma_start3A_17] : memref<6x128x128xf32, #tpu.memory_space<vmem>> -> memref<1x128x128xf32, #tpu.memory_space<vmem>>
    %dma_start3A_19 = tpu.memref_squeeze %dma_start3A_18 : memref<1x128x128xf32, #tpu.memory_space<vmem>> -> memref<128x128xf32, #tpu.memory_space<vmem>>
    %dma_start3A_20 = arith.constant 0 : i32
    %dma_start3A_21 = tpu.memref_slice %arg5[%dma_start3A_14, %dma_start3A_20] : memref<50x128xi32, #tpu.memory_space<vmem>> -> memref<1x128xi32, #tpu.memory_space<vmem>>
    %dma_start3A_22 = tpu.memref_squeeze %dma_start3A_21 : memref<1x128xi32, #tpu.memory_space<vmem>> -> memref<128xi32, #tpu.memory_space<vmem>>
    %dma_start3A_23 = arith.constant 0 : i32
    %dma_start3A_24 = arith.constant 0 : i32
    %dma_start3A_25 = tpu.memref_slice %arg3[%dma_start3A_23, %dma_start3A_24] : memref<100000x128xf32, #tpu.memory_space<hbm>> -> memref<100000x128xf32, #tpu.memory_space<hbm>>
    tpu.enqueue_indirect_dma source(%dma_start3A_25 : memref<100000x128xf32, #tpu.memory_space<hbm>>) target(%dma_start3A_19 : memref<128x128xf32, #tpu.memory_space<vmem>>) offsets(%dma_start3A_22 : memref<128xi32, #tpu.memory_space<vmem>>) semaphore(%arg8 : memref<!tpu.dma_semaphore, #tpu.memory_space<semaphore_mem>>)
    %dma_start3A_26 = arith.constant 2 : i32
    %dma_start3A_27 = arith.constant 2 : i32
    %dma_start3A_28 = arith.constant 0 : i32
    %dma_start3A_29 = arith.constant 0 : i32
    %dma_start3A_30 = tpu.memref_slice %arg6[%dma_start3A_27, %dma_start3A_28, %dma_start3A_29] : memref<6x128x128xf32, #tpu.memory_space<vmem>> -> memref<1x128x128xf32, #tpu.memory_space<vmem>>
    %dma_start3A_31 = tpu.memref_squeeze %dma_start3A_30 : memref<1x128x128xf32, #tpu.memory_space<vmem>> -> memref<128x128xf32, #tpu.memory_space<vmem>>
    %dma_start3A_32 = arith.constant 0 : i32
    %dma_start3A_33 = tpu.memref_slice %arg5[%dma_start3A_26, %dma_start3A_32] : memref<50x128xi32, #tpu.memory_space<vmem>> -> memref<1x128xi32, #tpu.memory_space<vmem>>
    %dma_start3A_34 = tpu.memref_squeeze %dma_start3A_33 : memref<1x128xi32, #tpu.memory_space<vmem>> -> memref<128xi32, #tpu.memory_space<vmem>>
    %dma_start3A_35 = arith.constant 0 : i32
    %dma_start3A_36 = arith.constant 0 : i32
    %dma_start3A_37 = tpu.memref_slice %arg3[%dma_start3A_35, %dma_start3A_36] : memref<100000x128xf32, #tpu.memory_space<hbm>> -> memref<100000x128xf32, #tpu.memory_space<hbm>>
    tpu.enqueue_indirect_dma source(%dma_start3A_37 : memref<100000x128xf32, #tpu.memory_space<hbm>>) target(%dma_start3A_31 : memref<128x128xf32, #tpu.memory_space<vmem>>) offsets(%dma_start3A_34 : memref<128xi32, #tpu.memory_space<vmem>>) semaphore(%arg9 : memref<!tpu.dma_semaphore, #tpu.memory_space<semaphore_mem>>)
    %dma_start3A_38 = arith.constant 3 : i32
    %dma_start3A_39 = arith.constant 3 : i32
    %dma_start3A_40 = arith.constant 0 : i32
    %dma_start3A_41 = arith.constant 0 : i32
    %dma_start3A_42 = tpu.memref_slice %arg6[%dma_start3A_39, %dma_start3A_40, %dma_start3A_41] : memref<6x128x128xf32, #tpu.memory_space<vmem>> -> memref<1x128x128xf32, #tpu.memory_space<vmem>>
    %dma_start3A_43 = tpu.memref_squeeze %dma_start3A_42 : memref<1x128x128xf32, #tpu.memory_space<vmem>> -> memref<128x128xf32, #tpu.memory_space<vmem>>
    %dma_start3A_44 = arith.constant 0 : i32
    %dma_start3A_45 = tpu.memref_slice %arg5[%dma_start3A_38, %dma_start3A_44] : memref<50x128xi32, #tpu.memory_space<vmem>> -> memref<1x128xi32, #tpu.memory_space<vmem>>
    %dma_start3A_46 = tpu.memref_squeeze %dma_start3A_45 : memref<1x128xi32, #tpu.memory_space<vmem>> -> memref<128xi32, #tpu.memory_space<vmem>>
    %dma_start3A_47 = arith.constant 0 : i32
    %dma_start3A_48 = arith.constant 0 : i32
    %dma_start3A_49 = tpu.memref_slice %arg3[%dma_start3A_47, %dma_start3A_48] : memref<100000x128xf32, #tpu.memory_space<hbm>> -> memref<100000x128xf32, #tpu.memory_space<hbm>>
    tpu.enqueue_indirect_dma source(%dma_start3A_49 : memref<100000x128xf32, #tpu.memory_space<hbm>>) target(%dma_start3A_43 : memref<128x128xf32, #tpu.memory_space<vmem>>) offsets(%dma_start3A_46 : memref<128xi32, #tpu.memory_space<vmem>>) semaphore(%arg10 : memref<!tpu.dma_semaphore, #tpu.memory_space<semaphore_mem>>)
    %dma_start3A_50 = arith.constant 4 : i32
    %dma_start3A_51 = arith.constant 4 : i32
    %dma_start3A_52 = arith.constant 0 : i32
    %dma_start3A_53 = arith.constant 0 : i32
    %dma_start3A_54 = tpu.memref_slice %arg6[%dma_start3A_51, %dma_start3A_52, %dma_start3A_53] : memref<6x128x128xf32, #tpu.memory_space<vmem>> -> memref<1x128x128xf32, #tpu.memory_space<vmem>>
    %dma_start3A_55 = tpu.memref_squeeze %dma_start3A_54 : memref<1x128x128xf32, #tpu.memory_space<vmem>> -> memref<128x128xf32, #tpu.memory_space<vmem>>
    %dma_start3A_56 = arith.constant 0 : i32
    %dma_start3A_57 = tpu.memref_slice %arg5[%dma_start3A_50, %dma_start3A_56] : memref<50x128xi32, #tpu.memory_space<vmem>> -> memref<1x128xi32, #tpu.memory_space<vmem>>
    %dma_start3A_58 = tpu.memref_squeeze %dma_start3A_57 : memref<1x128xi32, #tpu.memory_space<vmem>> -> memref<128xi32, #tpu.memory_space<vmem>>
    %dma_start3A_59 = arith.constant 0 : i32
    %dma_start3A_60 = arith.constant 0 : i32
    %dma_start3A_61 = tpu.memref_slice %arg3[%dma_start3A_59, %dma_start3A_60] : memref<100000x128xf32, #tpu.memory_space<hbm>> -> memref<100000x128xf32, #tpu.memory_space<hbm>>
    tpu.enqueue_indirect_dma source(%dma_start3A_61 : memref<100000x128xf32, #tpu.memory_space<hbm>>) target(%dma_start3A_55 : memref<128x128xf32, #tpu.memory_space<vmem>>) offsets(%dma_start3A_58 : memref<128xi32, #tpu.memory_space<vmem>>) semaphore(%arg11 : memref<!tpu.dma_semaphore, #tpu.memory_space<semaphore_mem>>)
    %dma_start3A_62 = arith.constant 5 : i32
    %dma_start3A_63 = arith.constant 5 : i32
    %dma_start3A_64 = arith.constant 0 : i32
    %dma_start3A_65 = arith.constant 0 : i32
    %dma_start3A_66 = tpu.memref_slice %arg6[%dma_start3A_63, %dma_start3A_64, %dma_start3A_65] : memref<6x128x128xf32, #tpu.memory_space<vmem>> -> memref<1x128x128xf32, #tpu.memory_space<vmem>>
    %dma_start3A_67 = tpu.memref_squeeze %dma_start3A_66 : memref<1x128x128xf32, #tpu.memory_space<vmem>> -> memref<128x128xf32, #tpu.memory_space<vmem>>
    %dma_start3A_68 = arith.constant 0 : i32
    %dma_start3A_69 = tpu.memref_slice %arg5[%dma_start3A_62, %dma_start3A_68] : memref<50x128xi32, #tpu.memory_space<vmem>> -> memref<1x128xi32, #tpu.memory_space<vmem>>
    %dma_start3A_70 = tpu.memref_squeeze %dma_start3A_69 : memref<1x128xi32, #tpu.memory_space<vmem>> -> memref<128xi32, #tpu.memory_space<vmem>>
    %dma_start3A_71 = arith.constant 0 : i32
    %dma_start3A_72 = arith.constant 0 : i32
    %dma_start3A_73 = tpu.memref_slice %arg3[%dma_start3A_71, %dma_start3A_72] : memref<100000x128xf32, #tpu.memory_space<hbm>> -> memref<100000x128xf32, #tpu.memory_space<hbm>>
    tpu.enqueue_indirect_dma source(%dma_start3A_73 : memref<100000x128xf32, #tpu.memory_space<hbm>>) target(%dma_start3A_67 : memref<128x128xf32, #tpu.memory_space<vmem>>) offsets(%dma_start3A_70 : memref<128xi32, #tpu.memory_space<vmem>>) semaphore(%arg12 : memref<!tpu.dma_semaphore, #tpu.memory_space<semaphore_mem>>)
    %dma_wait3A = arith.constant 0 : i32
    %dma_wait3A_74 = arith.constant 0 : i32
    %dma_wait3A_75 = arith.constant 0 : i32
    %dma_wait3A_76 = arith.constant 0 : i32
    %dma_wait3A_77 = tpu.memref_slice %arg6[%dma_wait3A_74, %dma_wait3A_75, %dma_wait3A_76] : memref<6x128x128xf32, #tpu.memory_space<vmem>> -> memref<1x128x128xf32, #tpu.memory_space<vmem>>
    %dma_wait3A_78 = tpu.memref_squeeze %dma_wait3A_77 : memref<1x128x128xf32, #tpu.memory_space<vmem>> -> memref<128x128xf32, #tpu.memory_space<vmem>>
    %dma_wait3A_79 = arith.constant 0 : i32
    %dma_wait3A_80 = tpu.memref_slice %arg5[%dma_wait3A, %dma_wait3A_79] : memref<50x128xi32, #tpu.memory_space<vmem>> -> memref<1x128xi32, #tpu.memory_space<vmem>>
    %dma_wait3A_81 = tpu.memref_squeeze %dma_wait3A_80 : memref<1x128xi32, #tpu.memory_space<vmem>> -> memref<128xi32, #tpu.memory_space<vmem>>
    %dma_wait3A_82 = arith.constant 0 : i32
    %dma_wait3A_83 = arith.constant 0 : i32
    %dma_wait3A_84 = tpu.memref_slice %arg3[%dma_wait3A_82, %dma_wait3A_83] : memref<100000x128xf32, #tpu.memory_space<hbm>> -> memref<100000x128xf32, #tpu.memory_space<hbm>>
    tpu.wait_indirect_dma semaphore(%arg7 : memref<!tpu.dma_semaphore, #tpu.memory_space<semaphore_mem>>) src(%dma_wait3A_84 : memref<100000x128xf32, #tpu.memory_space<hbm>>) dst(%dma_wait3A_78 : memref<128x128xf32, #tpu.memory_space<vmem>>)
    %add3A_85 = arith.constant 0 : i32
    %add3A_86 = arith.addi %mul3A_2, %add3A_85 : i32
    %multiple_of3A = tpu.assume_multiple %add3A_86, 128 : i32
    %dma_start3A_87 = arith.constant 0 : i32
    %dma_start3A_88 = arith.constant 0 : i32
    %dma_start3A_89 = arith.constant 0 : i32
    %dma_start3A_90 = tpu.memref_slice %arg6[%dma_start3A_87, %dma_start3A_88, %dma_start3A_89] : memref<6x128x128xf32, #tpu.memory_space<vmem>> -> memref<1x128x128xf32, #tpu.memory_space<vmem>>
    %dma_start3A_91 = tpu.memref_squeeze %dma_start3A_90 : memref<1x128x128xf32, #tpu.memory_space<vmem>> -> memref<128x128xf32, #tpu.memory_space<vmem>>
    %dma_start3A_92 = arith.constant 0 : i32
    %dma_start3A_93 = tpu.memref_slice %arg4[%multiple_of3A, %dma_start3A_92] : memref<204800x128xf32, #tpu.memory_space<hbm>> -> memref<128x128xf32, #tpu.memory_space<hbm>>
    %dma_start3A_94 = arith.constant 0 : i32
    %dma_start3A_95 = tpu.memref_slice %arg4[%multiple_of3A, %dma_start3A_94] : memref<204800x128xf32, #tpu.memory_space<hbm>> -> memref<128x128xf32, #tpu.memory_space<hbm>>
    %dma_start3A_96 = arith.constant 0 : i32
    %dma_start3A_97 = arith.constant 0 : i32
    %dma_start3A_98 = tpu.memref_slice %arg6[%dma_start3A_87, %dma_start3A_96, %dma_start3A_97] : memref<6x128x128xf32, #tpu.memory_space<vmem>> -> memref<1x128x128xf32, #tpu.memory_space<vmem>>
    %dma_start3A_99 = tpu.memref_squeeze %dma_start3A_98 : memref<1x128x128xf32, #tpu.memory_space<vmem>> -> memref<128x128xf32, #tpu.memory_space<vmem>>
    tpu.enqueue_dma source(%dma_start3A_99 : memref<128x128xf32, #tpu.memory_space<vmem>>) target(%dma_start3A_95 : memref<128x128xf32, #tpu.memory_space<hbm>>) target_semaphore(%arg13 : memref<!tpu.dma_semaphore, #tpu.memory_space<semaphore_mem>>)
    %scan3A = arith.constant 0 : i32
    %scan3A_100 = arith.constant 0 : i32
    %scan3A_101 = arith.constant 8 : i32
    %scan3A_102 = arith.addi %scan3A_100, %scan3A_101 : i32
    %scan3A_103 = arith.constant 1 : i32
    scf.for %scan3A_165 = %scan3A_100 to %scan3A_102 step %scan3A_103  : i32 {
      %mul3A_166 = arith.constant 6 : i32
      %mul3A_167 = arith.muli %scan3A_165, %mul3A_166 : i32
      %add3A_168 = arith.constant 1 : i32
      %add3A_169 = arith.addi %add3A_168, %mul3A_167 : i32
      %add3A_170 = arith.constant 0 : i32
      %add3A_171 = arith.addi %add3A_169, %add3A_170 : i32
      %sub3A = arith.constant 1 : i32
      %sub3A_172 = arith.subi %add3A_171, %sub3A : i32
      %mul3A_173 = arith.constant 128 : i32
      %mul3A_174 = arith.muli %sub3A_172, %mul3A_173 : i32
      %add3A_175 = arith.addi %mul3A_2, %mul3A_174 : i32
      %multiple_of3A_176 = tpu.assume_multiple %add3A_175, 128 : i32
      %dma_wait3A_177 = arith.constant 0 : i32
      %dma_wait3A_178 = arith.constant 0 : i32
      %dma_wait3A_179 = arith.constant 0 : i32
      %dma_wait3A_180 = tpu.memref_slice %arg6[%dma_wait3A_177, %dma_wait3A_178, %dma_wait3A_179] : memref<6x128x128xf32, #tpu.memory_space<vmem>> -> memref<1x128x128xf32, #tpu.memory_space<vmem>>
      %dma_wait3A_181 = tpu.memref_squeeze %dma_wait3A_180 : memref<1x128x128xf32, #tpu.memory_space<vmem>> -> memref<128x128xf32, #tpu.memory_space<vmem>>
      %dma_wait3A_182 = arith.constant 0 : i32
      %dma_wait3A_183 = tpu.memref_slice %arg4[%multiple_of3A_176, %dma_wait3A_182] : memref<204800x128xf32, #tpu.memory_space<hbm>> -> memref<128x128xf32, #tpu.memory_space<hbm>>
      %dma_wait3A_184 = arith.constant 0 : i32
      %dma_wait3A_185 = tpu.memref_slice %arg4[%multiple_of3A_176, %dma_wait3A_184] : memref<204800x128xf32, #tpu.memory_space<hbm>> -> memref<128x128xf32, #tpu.memory_space<hbm>>
      %dma_wait3A_186 = arith.constant 0 : i32
      %dma_wait3A_187 = arith.constant 0 : i32
      %dma_wait3A_188 = tpu.memref_slice %arg6[%dma_wait3A_177, %dma_wait3A_186, %dma_wait3A_187] : memref<6x128x128xf32, #tpu.memory_space<vmem>> -> memref<1x128x128xf32, #tpu.memory_space<vmem>>
      %dma_wait3A_189 = tpu.memref_squeeze %dma_wait3A_188 : memref<1x128x128xf32, #tpu.memory_space<vmem>> -> memref<128x128xf32, #tpu.memory_space<vmem>>
      tpu.wait_dma2 semaphore(%arg13 : memref<!tpu.dma_semaphore, #tpu.memory_space<semaphore_mem>>) src(%dma_wait3A_189 : memref<128x128xf32, #tpu.memory_space<vmem>>) dst(%dma_wait3A_185 : memref<128x128xf32, #tpu.memory_space<hbm>>)
      %add3A_190 = arith.constant 6 : i32
      %add3A_191 = arith.addi %add3A_171, %add3A_190 : i32
      %sub3A_192 = arith.constant 1 : i32
      %sub3A_193 = arith.subi %add3A_191, %sub3A_192 : i32
      %lt3A = arith.constant 50 : i32
      %lt3A_194 = arith.cmpi slt, %sub3A_193, %lt3A : i32
      %convert_element_type3A = arith.extui %lt3A_194 : i1 to i32
      %cond3A = arith.constant 0 : i32
      %cond3A_195 = arith.cmpi ne, %convert_element_type3A, %cond3A : i32
      scf.if %cond3A_195 {
        %add3A_534 = arith.constant 6 : i32
        %add3A_535 = arith.addi %add3A_171, %add3A_534 : i32
        %sub3A_536 = arith.constant 1 : i32
        %sub3A_537 = arith.subi %add3A_535, %sub3A_536 : i32
        %dma_start3A_538 = arith.constant 0 : i32
        %dma_start3A_539 = arith.constant 0 : i32
        %dma_start3A_540 = arith.constant 0 : i32
        %dma_start3A_541 = tpu.memref_slice %arg6[%dma_start3A_538, %dma_start3A_539, %dma_start3A_540] : memref<6x128x128xf32, #tpu.memory_space<vmem>> -> memref<1x128x128xf32, #tpu.memory_space<vmem>>
        %dma_start3A_542 = tpu.memref_squeeze %dma_start3A_541 : memref<1x128x128xf32, #tpu.memory_space<vmem>> -> memref<128x128xf32, #tpu.memory_space<vmem>>
        %dma_start3A_543 = arith.constant 0 : i32
        %dma_start3A_544 = tpu.memref_slice %arg5[%sub3A_537, %dma_start3A_543] : memref<50x128xi32, #tpu.memory_space<vmem>> -> memref<1x128xi32, #tpu.memory_space<vmem>>
        %dma_start3A_545 = tpu.memref_squeeze %dma_start3A_544 : memref<1x128xi32, #tpu.memory_space<vmem>> -> memref<128xi32, #tpu.memory_space<vmem>>
        %dma_start3A_546 = arith.constant 0 : i32
        %dma_start3A_547 = arith.constant 0 : i32
        %dma_start3A_548 = tpu.memref_slice %arg3[%dma_start3A_546, %dma_start3A_547] : memref<100000x128xf32, #tpu.memory_space<hbm>> -> memref<100000x128xf32, #tpu.memory_space<hbm>>
        tpu.enqueue_indirect_dma source(%dma_start3A_548 : memref<100000x128xf32, #tpu.memory_space<hbm>>) target(%dma_start3A_542 : memref<128x128xf32, #tpu.memory_space<vmem>>) offsets(%dma_start3A_545 : memref<128xi32, #tpu.memory_space<vmem>>) semaphore(%arg7 : memref<!tpu.dma_semaphore, #tpu.memory_space<semaphore_mem>>)
      } else {
      }
      %dma_wait3A_196 = arith.constant 1 : i32
      %dma_wait3A_197 = arith.constant 0 : i32
      %dma_wait3A_198 = arith.constant 0 : i32
      %dma_wait3A_199 = tpu.memref_slice %arg6[%dma_wait3A_196, %dma_wait3A_197, %dma_wait3A_198] : memref<6x128x128xf32, #tpu.memory_space<vmem>> -> memref<1x128x128xf32, #tpu.memory_space<vmem>>
      %dma_wait3A_200 = tpu.memref_squeeze %dma_wait3A_199 : memref<1x128x128xf32, #tpu.memory_space<vmem>> -> memref<128x128xf32, #tpu.memory_space<vmem>>
      %dma_wait3A_201 = arith.constant 0 : i32
      %dma_wait3A_202 = tpu.memref_slice %arg5[%add3A_171, %dma_wait3A_201] : memref<50x128xi32, #tpu.memory_space<vmem>> -> memref<1x128xi32, #tpu.memory_space<vmem>>
      %dma_wait3A_203 = tpu.memref_squeeze %dma_wait3A_202 : memref<1x128xi32, #tpu.memory_space<vmem>> -> memref<128xi32, #tpu.memory_space<vmem>>
      %dma_wait3A_204 = arith.constant 0 : i32
      %dma_wait3A_205 = arith.constant 0 : i32
      %dma_wait3A_206 = tpu.memref_slice %arg3[%dma_wait3A_204, %dma_wait3A_205] : memref<100000x128xf32, #tpu.memory_space<hbm>> -> memref<100000x128xf32, #tpu.memory_space<hbm>>
      tpu.wait_indirect_dma semaphore(%arg8 : memref<!tpu.dma_semaphore, #tpu.memory_space<semaphore_mem>>) src(%dma_wait3A_206 : memref<100000x128xf32, #tpu.memory_space<hbm>>) dst(%dma_wait3A_200 : memref<128x128xf32, #tpu.memory_space<vmem>>)
      %mul3A_207 = arith.constant 128 : i32
      %mul3A_208 = arith.muli %add3A_171, %mul3A_207 : i32
      %add3A_209 = arith.addi %mul3A_2, %mul3A_208 : i32
      %multiple_of3A_210 = tpu.assume_multiple %add3A_209, 128 : i32
      %dma_start3A_211 = arith.constant 1 : i32
      %dma_start3A_212 = arith.constant 0 : i32
      %dma_start3A_213 = arith.constant 0 : i32
      %dma_start3A_214 = tpu.memref_slice %arg6[%dma_start3A_211, %dma_start3A_212, %dma_start3A_213] : memref<6x128x128xf32, #tpu.memory_space<vmem>> -> memref<1x128x128xf32, #tpu.memory_space<vmem>>
      %dma_start3A_215 = tpu.memref_squeeze %dma_start3A_214 : memref<1x128x128xf32, #tpu.memory_space<vmem>> -> memref<128x128xf32, #tpu.memory_space<vmem>>
      %dma_start3A_216 = arith.constant 0 : i32
      %dma_start3A_217 = tpu.memref_slice %arg4[%multiple_of3A_210, %dma_start3A_216] : memref<204800x128xf32, #tpu.memory_space<hbm>> -> memref<128x128xf32, #tpu.memory_space<hbm>>
      %dma_start3A_218 = arith.constant 0 : i32
      %dma_start3A_219 = tpu.memref_slice %arg4[%multiple_of3A_210, %dma_start3A_218] : memref<204800x128xf32, #tpu.memory_space<hbm>> -> memref<128x128xf32, #tpu.memory_space<hbm>>
      %dma_start3A_220 = arith.constant 0 : i32
      %dma_start3A_221 = arith.constant 0 : i32
      %dma_start3A_222 = tpu.memref_slice %arg6[%dma_start3A_211, %dma_start3A_220, %dma_start3A_221] : memref<6x128x128xf32, #tpu.memory_space<vmem>> -> memref<1x128x128xf32, #tpu.memory_space<vmem>>
      %dma_start3A_223 = tpu.memref_squeeze %dma_start3A_222 : memref<1x128x128xf32, #tpu.memory_space<vmem>> -> memref<128x128xf32, #tpu.memory_space<vmem>>
      tpu.enqueue_dma source(%dma_start3A_223 : memref<128x128xf32, #tpu.memory_space<vmem>>) target(%dma_start3A_219 : memref<128x128xf32, #tpu.memory_space<hbm>>) target_semaphore(%arg14 : memref<!tpu.dma_semaphore, #tpu.memory_space<semaphore_mem>>)
      %mul3A_224 = arith.constant 6 : i32
      %mul3A_225 = arith.muli %scan3A_165, %mul3A_224 : i32
      %add3A_226 = arith.constant 1 : i32
      %add3A_227 = arith.addi %add3A_226, %mul3A_225 : i32
      %add3A_228 = arith.constant 1 : i32
      %add3A_229 = arith.addi %add3A_227, %add3A_228 : i32
      %sub3A_230 = arith.constant 1 : i32
      %sub3A_231 = arith.subi %add3A_229, %sub3A_230 : i32
      %mul3A_232 = arith.constant 128 : i32
      %mul3A_233 = arith.muli %sub3A_231, %mul3A_232 : i32
      %add3A_234 = arith.addi %mul3A_2, %mul3A_233 : i32
      %multiple_of3A_235 = tpu.assume_multiple %add3A_234, 128 : i32
      %dma_wait3A_236 = arith.constant 1 : i32
      %dma_wait3A_237 = arith.constant 0 : i32
      %dma_wait3A_238 = arith.constant 0 : i32
      %dma_wait3A_239 = tpu.memref_slice %arg6[%dma_wait3A_236, %dma_wait3A_237, %dma_wait3A_238] : memref<6x128x128xf32, #tpu.memory_space<vmem>> -> memref<1x128x128xf32, #tpu.memory_space<vmem>>
      %dma_wait3A_240 = tpu.memref_squeeze %dma_wait3A_239 : memref<1x128x128xf32, #tpu.memory_space<vmem>> -> memref<128x128xf32, #tpu.memory_space<vmem>>
      %dma_wait3A_241 = arith.constant 0 : i32
      %dma_wait3A_242 = tpu.memref_slice %arg4[%multiple_of3A_235, %dma_wait3A_241] : memref<204800x128xf32, #tpu.memory_space<hbm>> -> memref<128x128xf32, #tpu.memory_space<hbm>>
      %dma_wait3A_243 = arith.constant 0 : i32
      %dma_wait3A_244 = tpu.memref_slice %arg4[%multiple_of3A_235, %dma_wait3A_243] : memref<204800x128xf32, #tpu.memory_space<hbm>> -> memref<128x128xf32, #tpu.memory_space<hbm>>
      %dma_wait3A_245 = arith.constant 0 : i32
      %dma_wait3A_246 = arith.constant 0 : i32
      %dma_wait3A_247 = tpu.memref_slice %arg6[%dma_wait3A_236, %dma_wait3A_245, %dma_wait3A_246] : memref<6x128x128xf32, #tpu.memory_space<vmem>> -> memref<1x128x128xf32, #tpu.memory_space<vmem>>
      %dma_wait3A_248 = tpu.memref_squeeze %dma_wait3A_247 : memref<1x128x128xf32, #tpu.memory_space<vmem>> -> memref<128x128xf32, #tpu.memory_space<vmem>>
      tpu.wait_dma2 semaphore(%arg14 : memref<!tpu.dma_semaphore, #tpu.memory_space<semaphore_mem>>) src(%dma_wait3A_248 : memref<128x128xf32, #tpu.memory_space<vmem>>) dst(%dma_wait3A_244 : memref<128x128xf32, #tpu.memory_space<hbm>>)
      %add3A_249 = arith.constant 6 : i32
      %add3A_250 = arith.addi %add3A_229, %add3A_249 : i32
      %sub3A_251 = arith.constant 1 : i32
      %sub3A_252 = arith.subi %add3A_250, %sub3A_251 : i32
      %lt3A_253 = arith.constant 50 : i32
      %lt3A_254 = arith.cmpi slt, %sub3A_252, %lt3A_253 : i32
      %convert_element_type3A_255 = arith.extui %lt3A_254 : i1 to i32
      %cond3A_256 = arith.constant 0 : i32
      %cond3A_257 = arith.cmpi ne, %convert_element_type3A_255, %cond3A_256 : i32
      scf.if %cond3A_257 {
        %add3A_534 = arith.constant 6 : i32
        %add3A_535 = arith.addi %add3A_229, %add3A_534 : i32
        %sub3A_536 = arith.constant 1 : i32
        %sub3A_537 = arith.subi %add3A_535, %sub3A_536 : i32
        %dma_start3A_538 = arith.constant 1 : i32
        %dma_start3A_539 = arith.constant 0 : i32
        %dma_start3A_540 = arith.constant 0 : i32
        %dma_start3A_541 = tpu.memref_slice %arg6[%dma_start3A_538, %dma_start3A_539, %dma_start3A_540] : memref<6x128x128xf32, #tpu.memory_space<vmem>> -> memref<1x128x128xf32, #tpu.memory_space<vmem>>
        %dma_start3A_542 = tpu.memref_squeeze %dma_start3A_541 : memref<1x128x128xf32, #tpu.memory_space<vmem>> -> memref<128x128xf32, #tpu.memory_space<vmem>>
        %dma_start3A_543 = arith.constant 0 : i32
        %dma_start3A_544 = tpu.memref_slice %arg5[%sub3A_537, %dma_start3A_543] : memref<50x128xi32, #tpu.memory_space<vmem>> -> memref<1x128xi32, #tpu.memory_space<vmem>>
        %dma_start3A_545 = tpu.memref_squeeze %dma_start3A_544 : memref<1x128xi32, #tpu.memory_space<vmem>> -> memref<128xi32, #tpu.memory_space<vmem>>
        %dma_start3A_546 = arith.constant 0 : i32
        %dma_start3A_547 = arith.constant 0 : i32
        %dma_start3A_548 = tpu.memref_slice %arg3[%dma_start3A_546, %dma_start3A_547] : memref<100000x128xf32, #tpu.memory_space<hbm>> -> memref<100000x128xf32, #tpu.memory_space<hbm>>
        tpu.enqueue_indirect_dma source(%dma_start3A_548 : memref<100000x128xf32, #tpu.memory_space<hbm>>) target(%dma_start3A_542 : memref<128x128xf32, #tpu.memory_space<vmem>>) offsets(%dma_start3A_545 : memref<128xi32, #tpu.memory_space<vmem>>) semaphore(%arg8 : memref<!tpu.dma_semaphore, #tpu.memory_space<semaphore_mem>>)
      } else {
      }
      %dma_wait3A_258 = arith.constant 2 : i32
      %dma_wait3A_259 = arith.constant 0 : i32
      %dma_wait3A_260 = arith.constant 0 : i32
      %dma_wait3A_261 = tpu.memref_slice %arg6[%dma_wait3A_258, %dma_wait3A_259, %dma_wait3A_260] : memref<6x128x128xf32, #tpu.memory_space<vmem>> -> memref<1x128x128xf32, #tpu.memory_space<vmem>>
      %dma_wait3A_262 = tpu.memref_squeeze %dma_wait3A_261 : memref<1x128x128xf32, #tpu.memory_space<vmem>> -> memref<128x128xf32, #tpu.memory_space<vmem>>
      %dma_wait3A_263 = arith.constant 0 : i32
      %dma_wait3A_264 = tpu.memref_slice %arg5[%add3A_229, %dma_wait3A_263] : memref<50x128xi32, #tpu.memory_space<vmem>> -> memref<1x128xi32, #tpu.memory_space<vmem>>
      %dma_wait3A_265 = tpu.memref_squeeze %dma_wait3A_264 : memref<1x128xi32, #tpu.memory_space<vmem>> -> memref<128xi32, #tpu.memory_space<vmem>>
      %dma_wait3A_266 = arith.constant 0 : i32
      %dma_wait3A_267 = arith.constant 0 : i32
      %dma_wait3A_268 = tpu.memref_slice %arg3[%dma_wait3A_266, %dma_wait3A_267] : memref<100000x128xf32, #tpu.memory_space<hbm>> -> memref<100000x128xf32, #tpu.memory_space<hbm>>
      tpu.wait_indirect_dma semaphore(%arg9 : memref<!tpu.dma_semaphore, #tpu.memory_space<semaphore_mem>>) src(%dma_wait3A_268 : memref<100000x128xf32, #tpu.memory_space<hbm>>) dst(%dma_wait3A_262 : memref<128x128xf32, #tpu.memory_space<vmem>>)
      %mul3A_269 = arith.constant 128 : i32
      %mul3A_270 = arith.muli %add3A_229, %mul3A_269 : i32
      %add3A_271 = arith.addi %mul3A_2, %mul3A_270 : i32
      %multiple_of3A_272 = tpu.assume_multiple %add3A_271, 128 : i32
      %dma_start3A_273 = arith.constant 2 : i32
      %dma_start3A_274 = arith.constant 0 : i32
      %dma_start3A_275 = arith.constant 0 : i32
      %dma_start3A_276 = tpu.memref_slice %arg6[%dma_start3A_273, %dma_start3A_274, %dma_start3A_275] : memref<6x128x128xf32, #tpu.memory_space<vmem>> -> memref<1x128x128xf32, #tpu.memory_space<vmem>>
      %dma_start3A_277 = tpu.memref_squeeze %dma_start3A_276 : memref<1x128x128xf32, #tpu.memory_space<vmem>> -> memref<128x128xf32, #tpu.memory_space<vmem>>
      %dma_start3A_278 = arith.constant 0 : i32
      %dma_start3A_279 = tpu.memref_slice %arg4[%multiple_of3A_272, %dma_start3A_278] : memref<204800x128xf32, #tpu.memory_space<hbm>> -> memref<128x128xf32, #tpu.memory_space<hbm>>
      %dma_start3A_280 = arith.constant 0 : i32
      %dma_start3A_281 = tpu.memref_slice %arg4[%multiple_of3A_272, %dma_start3A_280] : memref<204800x128xf32, #tpu.memory_space<hbm>> -> memref<128x128xf32, #tpu.memory_space<hbm>>
      %dma_start3A_282 = arith.constant 0 : i32
      %dma_start3A_283 = arith.constant 0 : i32
      %dma_start3A_284 = tpu.memref_slice %arg6[%dma_start3A_273, %dma_start3A_282, %dma_start3A_283] : memref<6x128x128xf32, #tpu.memory_space<vmem>> -> memref<1x128x128xf32, #tpu.memory_space<vmem>>
      %dma_start3A_285 = tpu.memref_squeeze %dma_start3A_284 : memref<1x128x128xf32, #tpu.memory_space<vmem>> -> memref<128x128xf32, #tpu.memory_space<vmem>>
      tpu.enqueue_dma source(%dma_start3A_285 : memref<128x128xf32, #tpu.memory_space<vmem>>) target(%dma_start3A_281 : memref<128x128xf32, #tpu.memory_space<hbm>>) target_semaphore(%arg15 : memref<!tpu.dma_semaphore, #tpu.memory_space<semaphore_mem>>)
      %mul3A_286 = arith.constant 6 : i32
      %mul3A_287 = arith.muli %scan3A_165, %mul3A_286 : i32
      %add3A_288 = arith.constant 1 : i32
      %add3A_289 = arith.addi %add3A_288, %mul3A_287 : i32
      %add3A_290 = arith.constant 2 : i32
      %add3A_291 = arith.addi %add3A_289, %add3A_290 : i32
      %sub3A_292 = arith.constant 1 : i32
      %sub3A_293 = arith.subi %add3A_291, %sub3A_292 : i32
      %mul3A_294 = arith.constant 128 : i32
      %mul3A_295 = arith.muli %sub3A_293, %mul3A_294 : i32
      %add3A_296 = arith.addi %mul3A_2, %mul3A_295 : i32
      %multiple_of3A_297 = tpu.assume_multiple %add3A_296, 128 : i32
      %dma_wait3A_298 = arith.constant 2 : i32
      %dma_wait3A_299 = arith.constant 0 : i32
      %dma_wait3A_300 = arith.constant 0 : i32
      %dma_wait3A_301 = tpu.memref_slice %arg6[%dma_wait3A_298, %dma_wait3A_299, %dma_wait3A_300] : memref<6x128x128xf32, #tpu.memory_space<vmem>> -> memref<1x128x128xf32, #tpu.memory_space<vmem>>
      %dma_wait3A_302 = tpu.memref_squeeze %dma_wait3A_301 : memref<1x128x128xf32, #tpu.memory_space<vmem>> -> memref<128x128xf32, #tpu.memory_space<vmem>>
      %dma_wait3A_303 = arith.constant 0 : i32
      %dma_wait3A_304 = tpu.memref_slice %arg4[%multiple_of3A_297, %dma_wait3A_303] : memref<204800x128xf32, #tpu.memory_space<hbm>> -> memref<128x128xf32, #tpu.memory_space<hbm>>
      %dma_wait3A_305 = arith.constant 0 : i32
      %dma_wait3A_306 = tpu.memref_slice %arg4[%multiple_of3A_297, %dma_wait3A_305] : memref<204800x128xf32, #tpu.memory_space<hbm>> -> memref<128x128xf32, #tpu.memory_space<hbm>>
      %dma_wait3A_307 = arith.constant 0 : i32
      %dma_wait3A_308 = arith.constant 0 : i32
      %dma_wait3A_309 = tpu.memref_slice %arg6[%dma_wait3A_298, %dma_wait3A_307, %dma_wait3A_308] : memref<6x128x128xf32, #tpu.memory_space<vmem>> -> memref<1x128x128xf32, #tpu.memory_space<vmem>>
      %dma_wait3A_310 = tpu.memref_squeeze %dma_wait3A_309 : memref<1x128x128xf32, #tpu.memory_space<vmem>> -> memref<128x128xf32, #tpu.memory_space<vmem>>
      tpu.wait_dma2 semaphore(%arg15 : memref<!tpu.dma_semaphore, #tpu.memory_space<semaphore_mem>>) src(%dma_wait3A_310 : memref<128x128xf32, #tpu.memory_space<vmem>>) dst(%dma_wait3A_306 : memref<128x128xf32, #tpu.memory_space<hbm>>)
      %add3A_311 = arith.constant 6 : i32
      %add3A_312 = arith.addi %add3A_291, %add3A_311 : i32
      %sub3A_313 = arith.constant 1 : i32
      %sub3A_314 = arith.subi %add3A_312, %sub3A_313 : i32
      %lt3A_315 = arith.constant 50 : i32
      %lt3A_316 = arith.cmpi slt, %sub3A_314, %lt3A_315 : i32
      %convert_element_type3A_317 = arith.extui %lt3A_316 : i1 to i32
      %cond3A_318 = arith.constant 0 : i32
      %cond3A_319 = arith.cmpi ne, %convert_element_type3A_317, %cond3A_318 : i32
      scf.if %cond3A_319 {
        %add3A_534 = arith.constant 6 : i32
        %add3A_535 = arith.addi %add3A_291, %add3A_534 : i32
        %sub3A_536 = arith.constant 1 : i32
        %sub3A_537 = arith.subi %add3A_535, %sub3A_536 : i32
        %dma_start3A_538 = arith.constant 2 : i32
        %dma_start3A_539 = arith.constant 0 : i32
        %dma_start3A_540 = arith.constant 0 : i32
        %dma_start3A_541 = tpu.memref_slice %arg6[%dma_start3A_538, %dma_start3A_539, %dma_start3A_540] : memref<6x128x128xf32, #tpu.memory_space<vmem>> -> memref<1x128x128xf32, #tpu.memory_space<vmem>>
        %dma_start3A_542 = tpu.memref_squeeze %dma_start3A_541 : memref<1x128x128xf32, #tpu.memory_space<vmem>> -> memref<128x128xf32, #tpu.memory_space<vmem>>
        %dma_start3A_543 = arith.constant 0 : i32
        %dma_start3A_544 = tpu.memref_slice %arg5[%sub3A_537, %dma_start3A_543] : memref<50x128xi32, #tpu.memory_space<vmem>> -> memref<1x128xi32, #tpu.memory_space<vmem>>
        %dma_start3A_545 = tpu.memref_squeeze %dma_start3A_544 : memref<1x128xi32, #tpu.memory_space<vmem>> -> memref<128xi32, #tpu.memory_space<vmem>>
        %dma_start3A_546 = arith.constant 0 : i32
        %dma_start3A_547 = arith.constant 0 : i32
        %dma_start3A_548 = tpu.memref_slice %arg3[%dma_start3A_546, %dma_start3A_547] : memref<100000x128xf32, #tpu.memory_space<hbm>> -> memref<100000x128xf32, #tpu.memory_space<hbm>>
        tpu.enqueue_indirect_dma source(%dma_start3A_548 : memref<100000x128xf32, #tpu.memory_space<hbm>>) target(%dma_start3A_542 : memref<128x128xf32, #tpu.memory_space<vmem>>) offsets(%dma_start3A_545 : memref<128xi32, #tpu.memory_space<vmem>>) semaphore(%arg9 : memref<!tpu.dma_semaphore, #tpu.memory_space<semaphore_mem>>)
      } else {
      }
      %dma_wait3A_320 = arith.constant 3 : i32
      %dma_wait3A_321 = arith.constant 0 : i32
      %dma_wait3A_322 = arith.constant 0 : i32
      %dma_wait3A_323 = tpu.memref_slice %arg6[%dma_wait3A_320, %dma_wait3A_321, %dma_wait3A_322] : memref<6x128x128xf32, #tpu.memory_space<vmem>> -> memref<1x128x128xf32, #tpu.memory_space<vmem>>
      %dma_wait3A_324 = tpu.memref_squeeze %dma_wait3A_323 : memref<1x128x128xf32, #tpu.memory_space<vmem>> -> memref<128x128xf32, #tpu.memory_space<vmem>>
      %dma_wait3A_325 = arith.constant 0 : i32
      %dma_wait3A_326 = tpu.memref_slice %arg5[%add3A_291, %dma_wait3A_325] : memref<50x128xi32, #tpu.memory_space<vmem>> -> memref<1x128xi32, #tpu.memory_space<vmem>>
      %dma_wait3A_327 = tpu.memref_squeeze %dma_wait3A_326 : memref<1x128xi32, #tpu.memory_space<vmem>> -> memref<128xi32, #tpu.memory_space<vmem>>
      %dma_wait3A_328 = arith.constant 0 : i32
      %dma_wait3A_329 = arith.constant 0 : i32
      %dma_wait3A_330 = tpu.memref_slice %arg3[%dma_wait3A_328, %dma_wait3A_329] : memref<100000x128xf32, #tpu.memory_space<hbm>> -> memref<100000x128xf32, #tpu.memory_space<hbm>>
      tpu.wait_indirect_dma semaphore(%arg10 : memref<!tpu.dma_semaphore, #tpu.memory_space<semaphore_mem>>) src(%dma_wait3A_330 : memref<100000x128xf32, #tpu.memory_space<hbm>>) dst(%dma_wait3A_324 : memref<128x128xf32, #tpu.memory_space<vmem>>)
      %mul3A_331 = arith.constant 128 : i32
      %mul3A_332 = arith.muli %add3A_291, %mul3A_331 : i32
      %add3A_333 = arith.addi %mul3A_2, %mul3A_332 : i32
      %multiple_of3A_334 = tpu.assume_multiple %add3A_333, 128 : i32
      %dma_start3A_335 = arith.constant 3 : i32
      %dma_start3A_336 = arith.constant 0 : i32
      %dma_start3A_337 = arith.constant 0 : i32
      %dma_start3A_338 = tpu.memref_slice %arg6[%dma_start3A_335, %dma_start3A_336, %dma_start3A_337] : memref<6x128x128xf32, #tpu.memory_space<vmem>> -> memref<1x128x128xf32, #tpu.memory_space<vmem>>
      %dma_start3A_339 = tpu.memref_squeeze %dma_start3A_338 : memref<1x128x128xf32, #tpu.memory_space<vmem>> -> memref<128x128xf32, #tpu.memory_space<vmem>>
      %dma_start3A_340 = arith.constant 0 : i32
      %dma_start3A_341 = tpu.memref_slice %arg4[%multiple_of3A_334, %dma_start3A_340] : memref<204800x128xf32, #tpu.memory_space<hbm>> -> memref<128x128xf32, #tpu.memory_space<hbm>>
      %dma_start3A_342 = arith.constant 0 : i32
      %dma_start3A_343 = tpu.memref_slice %arg4[%multiple_of3A_334, %dma_start3A_342] : memref<204800x128xf32, #tpu.memory_space<hbm>> -> memref<128x128xf32, #tpu.memory_space<hbm>>
      %dma_start3A_344 = arith.constant 0 : i32
      %dma_start3A_345 = arith.constant 0 : i32
      %dma_start3A_346 = tpu.memref_slice %arg6[%dma_start3A_335, %dma_start3A_344, %dma_start3A_345] : memref<6x128x128xf32, #tpu.memory_space<vmem>> -> memref<1x128x128xf32, #tpu.memory_space<vmem>>
      %dma_start3A_347 = tpu.memref_squeeze %dma_start3A_346 : memref<1x128x128xf32, #tpu.memory_space<vmem>> -> memref<128x128xf32, #tpu.memory_space<vmem>>
      tpu.enqueue_dma source(%dma_start3A_347 : memref<128x128xf32, #tpu.memory_space<vmem>>) target(%dma_start3A_343 : memref<128x128xf32, #tpu.memory_space<hbm>>) target_semaphore(%arg16 : memref<!tpu.dma_semaphore, #tpu.memory_space<semaphore_mem>>)
      %mul3A_348 = arith.constant 6 : i32
      %mul3A_349 = arith.muli %scan3A_165, %mul3A_348 : i32
      %add3A_350 = arith.constant 1 : i32
      %add3A_351 = arith.addi %add3A_350, %mul3A_349 : i32
      %add3A_352 = arith.constant 3 : i32
      %add3A_353 = arith.addi %add3A_351, %add3A_352 : i32
      %sub3A_354 = arith.constant 1 : i32
      %sub3A_355 = arith.subi %add3A_353, %sub3A_354 : i32
      %mul3A_356 = arith.constant 128 : i32
      %mul3A_357 = arith.muli %sub3A_355, %mul3A_356 : i32
      %add3A_358 = arith.addi %mul3A_2, %mul3A_357 : i32
      %multiple_of3A_359 = tpu.assume_multiple %add3A_358, 128 : i32
      %dma_wait3A_360 = arith.constant 3 : i32
      %dma_wait3A_361 = arith.constant 0 : i32
      %dma_wait3A_362 = arith.constant 0 : i32
      %dma_wait3A_363 = tpu.memref_slice %arg6[%dma_wait3A_360, %dma_wait3A_361, %dma_wait3A_362] : memref<6x128x128xf32, #tpu.memory_space<vmem>> -> memref<1x128x128xf32, #tpu.memory_space<vmem>>
      %dma_wait3A_364 = tpu.memref_squeeze %dma_wait3A_363 : memref<1x128x128xf32, #tpu.memory_space<vmem>> -> memref<128x128xf32, #tpu.memory_space<vmem>>
      %dma_wait3A_365 = arith.constant 0 : i32
      %dma_wait3A_366 = tpu.memref_slice %arg4[%multiple_of3A_359, %dma_wait3A_365] : memref<204800x128xf32, #tpu.memory_space<hbm>> -> memref<128x128xf32, #tpu.memory_space<hbm>>
      %dma_wait3A_367 = arith.constant 0 : i32
      %dma_wait3A_368 = tpu.memref_slice %arg4[%multiple_of3A_359, %dma_wait3A_367] : memref<204800x128xf32, #tpu.memory_space<hbm>> -> memref<128x128xf32, #tpu.memory_space<hbm>>
      %dma_wait3A_369 = arith.constant 0 : i32
      %dma_wait3A_370 = arith.constant 0 : i32
      %dma_wait3A_371 = tpu.memref_slice %arg6[%dma_wait3A_360, %dma_wait3A_369, %dma_wait3A_370] : memref<6x128x128xf32, #tpu.memory_space<vmem>> -> memref<1x128x128xf32, #tpu.memory_space<vmem>>
      %dma_wait3A_372 = tpu.memref_squeeze %dma_wait3A_371 : memref<1x128x128xf32, #tpu.memory_space<vmem>> -> memref<128x128xf32, #tpu.memory_space<vmem>>
      tpu.wait_dma2 semaphore(%arg16 : memref<!tpu.dma_semaphore, #tpu.memory_space<semaphore_mem>>) src(%dma_wait3A_372 : memref<128x128xf32, #tpu.memory_space<vmem>>) dst(%dma_wait3A_368 : memref<128x128xf32, #tpu.memory_space<hbm>>)
      %add3A_373 = arith.constant 6 : i32
      %add3A_374 = arith.addi %add3A_353, %add3A_373 : i32
      %sub3A_375 = arith.constant 1 : i32
      %sub3A_376 = arith.subi %add3A_374, %sub3A_375 : i32
      %lt3A_377 = arith.constant 50 : i32
      %lt3A_378 = arith.cmpi slt, %sub3A_376, %lt3A_377 : i32
      %convert_element_type3A_379 = arith.extui %lt3A_378 : i1 to i32
      %cond3A_380 = arith.constant 0 : i32
      %cond3A_381 = arith.cmpi ne, %convert_element_type3A_379, %cond3A_380 : i32
      scf.if %cond3A_381 {
        %add3A_534 = arith.constant 6 : i32
        %add3A_535 = arith.addi %add3A_353, %add3A_534 : i32
        %sub3A_536 = arith.constant 1 : i32
        %sub3A_537 = arith.subi %add3A_535, %sub3A_536 : i32
        %dma_start3A_538 = arith.constant 3 : i32
        %dma_start3A_539 = arith.constant 0 : i32
        %dma_start3A_540 = arith.constant 0 : i32
        %dma_start3A_541 = tpu.memref_slice %arg6[%dma_start3A_538, %dma_start3A_539, %dma_start3A_540] : memref<6x128x128xf32, #tpu.memory_space<vmem>> -> memref<1x128x128xf32, #tpu.memory_space<vmem>>
        %dma_start3A_542 = tpu.memref_squeeze %dma_start3A_541 : memref<1x128x128xf32, #tpu.memory_space<vmem>> -> memref<128x128xf32, #tpu.memory_space<vmem>>
        %dma_start3A_543 = arith.constant 0 : i32
        %dma_start3A_544 = tpu.memref_slice %arg5[%sub3A_537, %dma_start3A_543] : memref<50x128xi32, #tpu.memory_space<vmem>> -> memref<1x128xi32, #tpu.memory_space<vmem>>
        %dma_start3A_545 = tpu.memref_squeeze %dma_start3A_544 : memref<1x128xi32, #tpu.memory_space<vmem>> -> memref<128xi32, #tpu.memory_space<vmem>>
        %dma_start3A_546 = arith.constant 0 : i32
        %dma_start3A_547 = arith.constant 0 : i32
        %dma_start3A_548 = tpu.memref_slice %arg3[%dma_start3A_546, %dma_start3A_547] : memref<100000x128xf32, #tpu.memory_space<hbm>> -> memref<100000x128xf32, #tpu.memory_space<hbm>>
        tpu.enqueue_indirect_dma source(%dma_start3A_548 : memref<100000x128xf32, #tpu.memory_space<hbm>>) target(%dma_start3A_542 : memref<128x128xf32, #tpu.memory_space<vmem>>) offsets(%dma_start3A_545 : memref<128xi32, #tpu.memory_space<vmem>>) semaphore(%arg10 : memref<!tpu.dma_semaphore, #tpu.memory_space<semaphore_mem>>)
      } else {
      }
      %dma_wait3A_382 = arith.constant 4 : i32
      %dma_wait3A_383 = arith.constant 0 : i32
      %dma_wait3A_384 = arith.constant 0 : i32
      %dma_wait3A_385 = tpu.memref_slice %arg6[%dma_wait3A_382, %dma_wait3A_383, %dma_wait3A_384] : memref<6x128x128xf32, #tpu.memory_space<vmem>> -> memref<1x128x128xf32, #tpu.memory_space<vmem>>
      %dma_wait3A_386 = tpu.memref_squeeze %dma_wait3A_385 : memref<1x128x128xf32, #tpu.memory_space<vmem>> -> memref<128x128xf32, #tpu.memory_space<vmem>>
      %dma_wait3A_387 = arith.constant 0 : i32
      %dma_wait3A_388 = tpu.memref_slice %arg5[%add3A_353, %dma_wait3A_387] : memref<50x128xi32, #tpu.memory_space<vmem>> -> memref<1x128xi32, #tpu.memory_space<vmem>>
      %dma_wait3A_389 = tpu.memref_squeeze %dma_wait3A_388 : memref<1x128xi32, #tpu.memory_space<vmem>> -> memref<128xi32, #tpu.memory_space<vmem>>
      %dma_wait3A_390 = arith.constant 0 : i32
      %dma_wait3A_391 = arith.constant 0 : i32
      %dma_wait3A_392 = tpu.memref_slice %arg3[%dma_wait3A_390, %dma_wait3A_391] : memref<100000x128xf32, #tpu.memory_space<hbm>> -> memref<100000x128xf32, #tpu.memory_space<hbm>>
      tpu.wait_indirect_dma semaphore(%arg11 : memref<!tpu.dma_semaphore, #tpu.memory_space<semaphore_mem>>) src(%dma_wait3A_392 : memref<100000x128xf32, #tpu.memory_space<hbm>>) dst(%dma_wait3A_386 : memref<128x128xf32, #tpu.memory_space<vmem>>)
      %mul3A_393 = arith.constant 128 : i32
      %mul3A_394 = arith.muli %add3A_353, %mul3A_393 : i32
      %add3A_395 = arith.addi %mul3A_2, %mul3A_394 : i32
      %multiple_of3A_396 = tpu.assume_multiple %add3A_395, 128 : i32
      %dma_start3A_397 = arith.constant 4 : i32
      %dma_start3A_398 = arith.constant 0 : i32
      %dma_start3A_399 = arith.constant 0 : i32
      %dma_start3A_400 = tpu.memref_slice %arg6[%dma_start3A_397, %dma_start3A_398, %dma_start3A_399] : memref<6x128x128xf32, #tpu.memory_space<vmem>> -> memref<1x128x128xf32, #tpu.memory_space<vmem>>
      %dma_start3A_401 = tpu.memref_squeeze %dma_start3A_400 : memref<1x128x128xf32, #tpu.memory_space<vmem>> -> memref<128x128xf32, #tpu.memory_space<vmem>>
      %dma_start3A_402 = arith.constant 0 : i32
      %dma_start3A_403 = tpu.memref_slice %arg4[%multiple_of3A_396, %dma_start3A_402] : memref<204800x128xf32, #tpu.memory_space<hbm>> -> memref<128x128xf32, #tpu.memory_space<hbm>>
      %dma_start3A_404 = arith.constant 0 : i32
      %dma_start3A_405 = tpu.memref_slice %arg4[%multiple_of3A_396, %dma_start3A_404] : memref<204800x128xf32, #tpu.memory_space<hbm>> -> memref<128x128xf32, #tpu.memory_space<hbm>>
      %dma_start3A_406 = arith.constant 0 : i32
      %dma_start3A_407 = arith.constant 0 : i32
      %dma_start3A_408 = tpu.memref_slice %arg6[%dma_start3A_397, %dma_start3A_406, %dma_start3A_407] : memref<6x128x128xf32, #tpu.memory_space<vmem>> -> memref<1x128x128xf32, #tpu.memory_space<vmem>>
      %dma_start3A_409 = tpu.memref_squeeze %dma_start3A_408 : memref<1x128x128xf32, #tpu.memory_space<vmem>> -> memref<128x128xf32, #tpu.memory_space<vmem>>
      tpu.enqueue_dma source(%dma_start3A_409 : memref<128x128xf32, #tpu.memory_space<vmem>>) target(%dma_start3A_405 : memref<128x128xf32, #tpu.memory_space<hbm>>) target_semaphore(%arg17 : memref<!tpu.dma_semaphore, #tpu.memory_space<semaphore_mem>>)
      %mul3A_410 = arith.constant 6 : i32
      %mul3A_411 = arith.muli %scan3A_165, %mul3A_410 : i32
      %add3A_412 = arith.constant 1 : i32
      %add3A_413 = arith.addi %add3A_412, %mul3A_411 : i32
      %add3A_414 = arith.constant 4 : i32
      %add3A_415 = arith.addi %add3A_413, %add3A_414 : i32
      %sub3A_416 = arith.constant 1 : i32
      %sub3A_417 = arith.subi %add3A_415, %sub3A_416 : i32
      %mul3A_418 = arith.constant 128 : i32
      %mul3A_419 = arith.muli %sub3A_417, %mul3A_418 : i32
      %add3A_420 = arith.addi %mul3A_2, %mul3A_419 : i32
      %multiple_of3A_421 = tpu.assume_multiple %add3A_420, 128 : i32
      %dma_wait3A_422 = arith.constant 4 : i32
      %dma_wait3A_423 = arith.constant 0 : i32
      %dma_wait3A_424 = arith.constant 0 : i32
      %dma_wait3A_425 = tpu.memref_slice %arg6[%dma_wait3A_422, %dma_wait3A_423, %dma_wait3A_424] : memref<6x128x128xf32, #tpu.memory_space<vmem>> -> memref<1x128x128xf32, #tpu.memory_space<vmem>>
      %dma_wait3A_426 = tpu.memref_squeeze %dma_wait3A_425 : memref<1x128x128xf32, #tpu.memory_space<vmem>> -> memref<128x128xf32, #tpu.memory_space<vmem>>
      %dma_wait3A_427 = arith.constant 0 : i32
      %dma_wait3A_428 = tpu.memref_slice %arg4[%multiple_of3A_421, %dma_wait3A_427] : memref<204800x128xf32, #tpu.memory_space<hbm>> -> memref<128x128xf32, #tpu.memory_space<hbm>>
      %dma_wait3A_429 = arith.constant 0 : i32
      %dma_wait3A_430 = tpu.memref_slice %arg4[%multiple_of3A_421, %dma_wait3A_429] : memref<204800x128xf32, #tpu.memory_space<hbm>> -> memref<128x128xf32, #tpu.memory_space<hbm>>
      %dma_wait3A_431 = arith.constant 0 : i32
      %dma_wait3A_432 = arith.constant 0 : i32
      %dma_wait3A_433 = tpu.memref_slice %arg6[%dma_wait3A_422, %dma_wait3A_431, %dma_wait3A_432] : memref<6x128x128xf32, #tpu.memory_space<vmem>> -> memref<1x128x128xf32, #tpu.memory_space<vmem>>
      %dma_wait3A_434 = tpu.memref_squeeze %dma_wait3A_433 : memref<1x128x128xf32, #tpu.memory_space<vmem>> -> memref<128x128xf32, #tpu.memory_space<vmem>>
      tpu.wait_dma2 semaphore(%arg17 : memref<!tpu.dma_semaphore, #tpu.memory_space<semaphore_mem>>) src(%dma_wait3A_434 : memref<128x128xf32, #tpu.memory_space<vmem>>) dst(%dma_wait3A_430 : memref<128x128xf32, #tpu.memory_space<hbm>>)
      %add3A_435 = arith.constant 6 : i32
      %add3A_436 = arith.addi %add3A_415, %add3A_435 : i32
      %sub3A_437 = arith.constant 1 : i32
      %sub3A_438 = arith.subi %add3A_436, %sub3A_437 : i32
      %lt3A_439 = arith.constant 50 : i32
      %lt3A_440 = arith.cmpi slt, %sub3A_438, %lt3A_439 : i32
      %convert_element_type3A_441 = arith.extui %lt3A_440 : i1 to i32
      %cond3A_442 = arith.constant 0 : i32
      %cond3A_443 = arith.cmpi ne, %convert_element_type3A_441, %cond3A_442 : i32
      scf.if %cond3A_443 {
        %add3A_534 = arith.constant 6 : i32
        %add3A_535 = arith.addi %add3A_415, %add3A_534 : i32
        %sub3A_536 = arith.constant 1 : i32
        %sub3A_537 = arith.subi %add3A_535, %sub3A_536 : i32
        %dma_start3A_538 = arith.constant 4 : i32
        %dma_start3A_539 = arith.constant 0 : i32
        %dma_start3A_540 = arith.constant 0 : i32
        %dma_start3A_541 = tpu.memref_slice %arg6[%dma_start3A_538, %dma_start3A_539, %dma_start3A_540] : memref<6x128x128xf32, #tpu.memory_space<vmem>> -> memref<1x128x128xf32, #tpu.memory_space<vmem>>
        %dma_start3A_542 = tpu.memref_squeeze %dma_start3A_541 : memref<1x128x128xf32, #tpu.memory_space<vmem>> -> memref<128x128xf32, #tpu.memory_space<vmem>>
        %dma_start3A_543 = arith.constant 0 : i32
        %dma_start3A_544 = tpu.memref_slice %arg5[%sub3A_537, %dma_start3A_543] : memref<50x128xi32, #tpu.memory_space<vmem>> -> memref<1x128xi32, #tpu.memory_space<vmem>>
        %dma_start3A_545 = tpu.memref_squeeze %dma_start3A_544 : memref<1x128xi32, #tpu.memory_space<vmem>> -> memref<128xi32, #tpu.memory_space<vmem>>
        %dma_start3A_546 = arith.constant 0 : i32
        %dma_start3A_547 = arith.constant 0 : i32
        %dma_start3A_548 = tpu.memref_slice %arg3[%dma_start3A_546, %dma_start3A_547] : memref<100000x128xf32, #tpu.memory_space<hbm>> -> memref<100000x128xf32, #tpu.memory_space<hbm>>
        tpu.enqueue_indirect_dma source(%dma_start3A_548 : memref<100000x128xf32, #tpu.memory_space<hbm>>) target(%dma_start3A_542 : memref<128x128xf32, #tpu.memory_space<vmem>>) offsets(%dma_start3A_545 : memref<128xi32, #tpu.memory_space<vmem>>) semaphore(%arg11 : memref<!tpu.dma_semaphore, #tpu.memory_space<semaphore_mem>>)
      } else {
      }
      %dma_wait3A_444 = arith.constant 5 : i32
      %dma_wait3A_445 = arith.constant 0 : i32
      %dma_wait3A_446 = arith.constant 0 : i32
      %dma_wait3A_447 = tpu.memref_slice %arg6[%dma_wait3A_444, %dma_wait3A_445, %dma_wait3A_446] : memref<6x128x128xf32, #tpu.memory_space<vmem>> -> memref<1x128x128xf32, #tpu.memory_space<vmem>>
      %dma_wait3A_448 = tpu.memref_squeeze %dma_wait3A_447 : memref<1x128x128xf32, #tpu.memory_space<vmem>> -> memref<128x128xf32, #tpu.memory_space<vmem>>
      %dma_wait3A_449 = arith.constant 0 : i32
      %dma_wait3A_450 = tpu.memref_slice %arg5[%add3A_415, %dma_wait3A_449] : memref<50x128xi32, #tpu.memory_space<vmem>> -> memref<1x128xi32, #tpu.memory_space<vmem>>
      %dma_wait3A_451 = tpu.memref_squeeze %dma_wait3A_450 : memref<1x128xi32, #tpu.memory_space<vmem>> -> memref<128xi32, #tpu.memory_space<vmem>>
      %dma_wait3A_452 = arith.constant 0 : i32
      %dma_wait3A_453 = arith.constant 0 : i32
      %dma_wait3A_454 = tpu.memref_slice %arg3[%dma_wait3A_452, %dma_wait3A_453] : memref<100000x128xf32, #tpu.memory_space<hbm>> -> memref<100000x128xf32, #tpu.memory_space<hbm>>
      tpu.wait_indirect_dma semaphore(%arg12 : memref<!tpu.dma_semaphore, #tpu.memory_space<semaphore_mem>>) src(%dma_wait3A_454 : memref<100000x128xf32, #tpu.memory_space<hbm>>) dst(%dma_wait3A_448 : memref<128x128xf32, #tpu.memory_space<vmem>>)
      %mul3A_455 = arith.constant 128 : i32
      %mul3A_456 = arith.muli %add3A_415, %mul3A_455 : i32
      %add3A_457 = arith.addi %mul3A_2, %mul3A_456 : i32
      %multiple_of3A_458 = tpu.assume_multiple %add3A_457, 128 : i32
      %dma_start3A_459 = arith.constant 5 : i32
      %dma_start3A_460 = arith.constant 0 : i32
      %dma_start3A_461 = arith.constant 0 : i32
      %dma_start3A_462 = tpu.memref_slice %arg6[%dma_start3A_459, %dma_start3A_460, %dma_start3A_461] : memref<6x128x128xf32, #tpu.memory_space<vmem>> -> memref<1x128x128xf32, #tpu.memory_space<vmem>>
      %dma_start3A_463 = tpu.memref_squeeze %dma_start3A_462 : memref<1x128x128xf32, #tpu.memory_space<vmem>> -> memref<128x128xf32, #tpu.memory_space<vmem>>
      %dma_start3A_464 = arith.constant 0 : i32
      %dma_start3A_465 = tpu.memref_slice %arg4[%multiple_of3A_458, %dma_start3A_464] : memref<204800x128xf32, #tpu.memory_space<hbm>> -> memref<128x128xf32, #tpu.memory_space<hbm>>
      %dma_start3A_466 = arith.constant 0 : i32
      %dma_start3A_467 = tpu.memref_slice %arg4[%multiple_of3A_458, %dma_start3A_466] : memref<204800x128xf32, #tpu.memory_space<hbm>> -> memref<128x128xf32, #tpu.memory_space<hbm>>
      %dma_start3A_468 = arith.constant 0 : i32
      %dma_start3A_469 = arith.constant 0 : i32
      %dma_start3A_470 = tpu.memref_slice %arg6[%dma_start3A_459, %dma_start3A_468, %dma_start3A_469] : memref<6x128x128xf32, #tpu.memory_space<vmem>> -> memref<1x128x128xf32, #tpu.memory_space<vmem>>
      %dma_start3A_471 = tpu.memref_squeeze %dma_start3A_470 : memref<1x128x128xf32, #tpu.memory_space<vmem>> -> memref<128x128xf32, #tpu.memory_space<vmem>>
      tpu.enqueue_dma source(%dma_start3A_471 : memref<128x128xf32, #tpu.memory_space<vmem>>) target(%dma_start3A_467 : memref<128x128xf32, #tpu.memory_space<hbm>>) target_semaphore(%arg18 : memref<!tpu.dma_semaphore, #tpu.memory_space<semaphore_mem>>)
      %mul3A_472 = arith.constant 6 : i32
      %mul3A_473 = arith.muli %scan3A_165, %mul3A_472 : i32
      %add3A_474 = arith.constant 1 : i32
      %add3A_475 = arith.addi %add3A_474, %mul3A_473 : i32
      %add3A_476 = arith.constant 5 : i32
      %add3A_477 = arith.addi %add3A_475, %add3A_476 : i32
      %sub3A_478 = arith.constant 1 : i32
      %sub3A_479 = arith.subi %add3A_477, %sub3A_478 : i32
      %mul3A_480 = arith.constant 128 : i32
      %mul3A_481 = arith.muli %sub3A_479, %mul3A_480 : i32
      %add3A_482 = arith.addi %mul3A_2, %mul3A_481 : i32
      %multiple_of3A_483 = tpu.assume_multiple %add3A_482, 128 : i32
      %dma_wait3A_484 = arith.constant 5 : i32
      %dma_wait3A_485 = arith.constant 0 : i32
      %dma_wait3A_486 = arith.constant 0 : i32
      %dma_wait3A_487 = tpu.memref_slice %arg6[%dma_wait3A_484, %dma_wait3A_485, %dma_wait3A_486] : memref<6x128x128xf32, #tpu.memory_space<vmem>> -> memref<1x128x128xf32, #tpu.memory_space<vmem>>
      %dma_wait3A_488 = tpu.memref_squeeze %dma_wait3A_487 : memref<1x128x128xf32, #tpu.memory_space<vmem>> -> memref<128x128xf32, #tpu.memory_space<vmem>>
      %dma_wait3A_489 = arith.constant 0 : i32
      %dma_wait3A_490 = tpu.memref_slice %arg4[%multiple_of3A_483, %dma_wait3A_489] : memref<204800x128xf32, #tpu.memory_space<hbm>> -> memref<128x128xf32, #tpu.memory_space<hbm>>
      %dma_wait3A_491 = arith.constant 0 : i32
      %dma_wait3A_492 = tpu.memref_slice %arg4[%multiple_of3A_483, %dma_wait3A_491] : memref<204800x128xf32, #tpu.memory_space<hbm>> -> memref<128x128xf32, #tpu.memory_space<hbm>>
      %dma_wait3A_493 = arith.constant 0 : i32
      %dma_wait3A_494 = arith.constant 0 : i32
      %dma_wait3A_495 = tpu.memref_slice %arg6[%dma_wait3A_484, %dma_wait3A_493, %dma_wait3A_494] : memref<6x128x128xf32, #tpu.memory_space<vmem>> -> memref<1x128x128xf32, #tpu.memory_space<vmem>>
      %dma_wait3A_496 = tpu.memref_squeeze %dma_wait3A_495 : memref<1x128x128xf32, #tpu.memory_space<vmem>> -> memref<128x128xf32, #tpu.memory_space<vmem>>
      tpu.wait_dma2 semaphore(%arg18 : memref<!tpu.dma_semaphore, #tpu.memory_space<semaphore_mem>>) src(%dma_wait3A_496 : memref<128x128xf32, #tpu.memory_space<vmem>>) dst(%dma_wait3A_492 : memref<128x128xf32, #tpu.memory_space<hbm>>)
      %add3A_497 = arith.constant 6 : i32
      %add3A_498 = arith.addi %add3A_477, %add3A_497 : i32
      %sub3A_499 = arith.constant 1 : i32
      %sub3A_500 = arith.subi %add3A_498, %sub3A_499 : i32
      %lt3A_501 = arith.constant 50 : i32
      %lt3A_502 = arith.cmpi slt, %sub3A_500, %lt3A_501 : i32
      %convert_element_type3A_503 = arith.extui %lt3A_502 : i1 to i32
      %cond3A_504 = arith.constant 0 : i32
      %cond3A_505 = arith.cmpi ne, %convert_element_type3A_503, %cond3A_504 : i32
      scf.if %cond3A_505 {
        %add3A_534 = arith.constant 6 : i32
        %add3A_535 = arith.addi %add3A_477, %add3A_534 : i32
        %sub3A_536 = arith.constant 1 : i32
        %sub3A_537 = arith.subi %add3A_535, %sub3A_536 : i32
        %dma_start3A_538 = arith.constant 5 : i32
        %dma_start3A_539 = arith.constant 0 : i32
        %dma_start3A_540 = arith.constant 0 : i32
        %dma_start3A_541 = tpu.memref_slice %arg6[%dma_start3A_538, %dma_start3A_539, %dma_start3A_540] : memref<6x128x128xf32, #tpu.memory_space<vmem>> -> memref<1x128x128xf32, #tpu.memory_space<vmem>>
        %dma_start3A_542 = tpu.memref_squeeze %dma_start3A_541 : memref<1x128x128xf32, #tpu.memory_space<vmem>> -> memref<128x128xf32, #tpu.memory_space<vmem>>
        %dma_start3A_543 = arith.constant 0 : i32
        %dma_start3A_544 = tpu.memref_slice %arg5[%sub3A_537, %dma_start3A_543] : memref<50x128xi32, #tpu.memory_space<vmem>> -> memref<1x128xi32, #tpu.memory_space<vmem>>
        %dma_start3A_545 = tpu.memref_squeeze %dma_start3A_544 : memref<1x128xi32, #tpu.memory_space<vmem>> -> memref<128xi32, #tpu.memory_space<vmem>>
        %dma_start3A_546 = arith.constant 0 : i32
        %dma_start3A_547 = arith.constant 0 : i32
        %dma_start3A_548 = tpu.memref_slice %arg3[%dma_start3A_546, %dma_start3A_547] : memref<100000x128xf32, #tpu.memory_space<hbm>> -> memref<100000x128xf32, #tpu.memory_space<hbm>>
        tpu.enqueue_indirect_dma source(%dma_start3A_548 : memref<100000x128xf32, #tpu.memory_space<hbm>>) target(%dma_start3A_542 : memref<128x128xf32, #tpu.memory_space<vmem>>) offsets(%dma_start3A_545 : memref<128xi32, #tpu.memory_space<vmem>>) semaphore(%arg12 : memref<!tpu.dma_semaphore, #tpu.memory_space<semaphore_mem>>)
      } else {
      }
      %dma_wait3A_506 = arith.constant 0 : i32
      %dma_wait3A_507 = arith.constant 0 : i32
      %dma_wait3A_508 = arith.constant 0 : i32
      %dma_wait3A_509 = tpu.memref_slice %arg6[%dma_wait3A_506, %dma_wait3A_507, %dma_wait3A_508] : memref<6x128x128xf32, #tpu.memory_space<vmem>> -> memref<1x128x128xf32, #tpu.memory_space<vmem>>
      %dma_wait3A_510 = tpu.memref_squeeze %dma_wait3A_509 : memref<1x128x128xf32, #tpu.memory_space<vmem>> -> memref<128x128xf32, #tpu.memory_space<vmem>>
      %dma_wait3A_511 = arith.constant 0 : i32
      %dma_wait3A_512 = tpu.memref_slice %arg5[%add3A_477, %dma_wait3A_511] : memref<50x128xi32, #tpu.memory_space<vmem>> -> memref<1x128xi32, #tpu.memory_space<vmem>>
      %dma_wait3A_513 = tpu.memref_squeeze %dma_wait3A_512 : memref<1x128xi32, #tpu.memory_space<vmem>> -> memref<128xi32, #tpu.memory_space<vmem>>
      %dma_wait3A_514 = arith.constant 0 : i32
      %dma_wait3A_515 = arith.constant 0 : i32
      %dma_wait3A_516 = tpu.memref_slice %arg3[%dma_wait3A_514, %dma_wait3A_515] : memref<100000x128xf32, #tpu.memory_space<hbm>> -> memref<100000x128xf32, #tpu.memory_space<hbm>>
      tpu.wait_indirect_dma semaphore(%arg7 : memref<!tpu.dma_semaphore, #tpu.memory_space<semaphore_mem>>) src(%dma_wait3A_516 : memref<100000x128xf32, #tpu.memory_space<hbm>>) dst(%dma_wait3A_510 : memref<128x128xf32, #tpu.memory_space<vmem>>)
      %mul3A_517 = arith.constant 128 : i32
      %mul3A_518 = arith.muli %add3A_477, %mul3A_517 : i32
      %add3A_519 = arith.addi %mul3A_2, %mul3A_518 : i32
      %multiple_of3A_520 = tpu.assume_multiple %add3A_519, 128 : i32
      %dma_start3A_521 = arith.constant 0 : i32
      %dma_start3A_522 = arith.constant 0 : i32
      %dma_start3A_523 = arith.constant 0 : i32
      %dma_start3A_524 = tpu.memref_slice %arg6[%dma_start3A_521, %dma_start3A_522, %dma_start3A_523] : memref<6x128x128xf32, #tpu.memory_space<vmem>> -> memref<1x128x128xf32, #tpu.memory_space<vmem>>
      %dma_start3A_525 = tpu.memref_squeeze %dma_start3A_524 : memref<1x128x128xf32, #tpu.memory_space<vmem>> -> memref<128x128xf32, #tpu.memory_space<vmem>>
      %dma_start3A_526 = arith.constant 0 : i32
      %dma_start3A_527 = tpu.memref_slice %arg4[%multiple_of3A_520, %dma_start3A_526] : memref<204800x128xf32, #tpu.memory_space<hbm>> -> memref<128x128xf32, #tpu.memory_space<hbm>>
      %dma_start3A_528 = arith.constant 0 : i32
      %dma_start3A_529 = tpu.memref_slice %arg4[%multiple_of3A_520, %dma_start3A_528] : memref<204800x128xf32, #tpu.memory_space<hbm>> -> memref<128x128xf32, #tpu.memory_space<hbm>>
      %dma_start3A_530 = arith.constant 0 : i32
      %dma_start3A_531 = arith.constant 0 : i32
      %dma_start3A_532 = tpu.memref_slice %arg6[%dma_start3A_521, %dma_start3A_530, %dma_start3A_531] : memref<6x128x128xf32, #tpu.memory_space<vmem>> -> memref<1x128x128xf32, #tpu.memory_space<vmem>>
      %dma_start3A_533 = tpu.memref_squeeze %dma_start3A_532 : memref<1x128x128xf32, #tpu.memory_space<vmem>> -> memref<128x128xf32, #tpu.memory_space<vmem>>
      tpu.enqueue_dma source(%dma_start3A_533 : memref<128x128xf32, #tpu.memory_space<vmem>>) target(%dma_start3A_529 : memref<128x128xf32, #tpu.memory_space<hbm>>) target_semaphore(%arg13 : memref<!tpu.dma_semaphore, #tpu.memory_space<semaphore_mem>>)
    }
    %scan3A_104 = arith.constant 8 : i32
    %add3A_105 = arith.constant 6144 : i32
    %add3A_106 = arith.addi %mul3A_2, %add3A_105 : i32
    %multiple_of3A_107 = tpu.assume_multiple %add3A_106, 128 : i32
    %dma_wait3A_108 = arith.constant 0 : i32
    %dma_wait3A_109 = arith.constant 0 : i32
    %dma_wait3A_110 = arith.constant 0 : i32
    %dma_wait3A_111 = tpu.memref_slice %arg6[%dma_wait3A_108, %dma_wait3A_109, %dma_wait3A_110] : memref<6x128x128xf32, #tpu.memory_space<vmem>> -> memref<1x128x128xf32, #tpu.memory_space<vmem>>
    %dma_wait3A_112 = tpu.memref_squeeze %dma_wait3A_111 : memref<1x128x128xf32, #tpu.memory_space<vmem>> -> memref<128x128xf32, #tpu.memory_space<vmem>>
    %dma_wait3A_113 = arith.constant 0 : i32
    %dma_wait3A_114 = tpu.memref_slice %arg4[%multiple_of3A_107, %dma_wait3A_113] : memref<204800x128xf32, #tpu.memory_space<hbm>> -> memref<128x128xf32, #tpu.memory_space<hbm>>
    %dma_wait3A_115 = arith.constant 0 : i32
    %dma_wait3A_116 = tpu.memref_slice %arg4[%multiple_of3A_107, %dma_wait3A_115] : memref<204800x128xf32, #tpu.memory_space<hbm>> -> memref<128x128xf32, #tpu.memory_space<hbm>>
    %dma_wait3A_117 = arith.constant 0 : i32
    %dma_wait3A_118 = arith.constant 0 : i32
    %dma_wait3A_119 = tpu.memref_slice %arg6[%dma_wait3A_108, %dma_wait3A_117, %dma_wait3A_118] : memref<6x128x128xf32, #tpu.memory_space<vmem>> -> memref<1x128x128xf32, #tpu.memory_space<vmem>>
    %dma_wait3A_120 = tpu.memref_squeeze %dma_wait3A_119 : memref<1x128x128xf32, #tpu.memory_space<vmem>> -> memref<128x128xf32, #tpu.memory_space<vmem>>
    tpu.wait_dma2 semaphore(%arg13 : memref<!tpu.dma_semaphore, #tpu.memory_space<semaphore_mem>>) src(%dma_wait3A_120 : memref<128x128xf32, #tpu.memory_space<vmem>>) dst(%dma_wait3A_116 : memref<128x128xf32, #tpu.memory_space<hbm>>)
    %dma_wait3A_121 = arith.constant 49 : i32
    %dma_wait3A_122 = arith.constant 1 : i32
    %dma_wait3A_123 = arith.constant 0 : i32
    %dma_wait3A_124 = arith.constant 0 : i32
    %dma_wait3A_125 = tpu.memref_slice %arg6[%dma_wait3A_122, %dma_wait3A_123, %dma_wait3A_124] : memref<6x128x128xf32, #tpu.memory_space<vmem>> -> memref<1x128x128xf32, #tpu.memory_space<vmem>>
    %dma_wait3A_126 = tpu.memref_squeeze %dma_wait3A_125 : memref<1x128x128xf32, #tpu.memory_space<vmem>> -> memref<128x128xf32, #tpu.memory_space<vmem>>
    %dma_wait3A_127 = arith.constant 0 : i32
    %dma_wait3A_128 = tpu.memref_slice %arg5[%dma_wait3A_121, %dma_wait3A_127] : memref<50x128xi32, #tpu.memory_space<vmem>> -> memref<1x128xi32, #tpu.memory_space<vmem>>
    %dma_wait3A_129 = tpu.memref_squeeze %dma_wait3A_128 : memref<1x128xi32, #tpu.memory_space<vmem>> -> memref<128xi32, #tpu.memory_space<vmem>>
    %dma_wait3A_130 = arith.constant 0 : i32
    %dma_wait3A_131 = arith.constant 0 : i32
    %dma_wait3A_132 = tpu.memref_slice %arg3[%dma_wait3A_130, %dma_wait3A_131] : memref<100000x128xf32, #tpu.memory_space<hbm>> -> memref<100000x128xf32, #tpu.memory_space<hbm>>
    tpu.wait_indirect_dma semaphore(%arg8 : memref<!tpu.dma_semaphore, #tpu.memory_space<semaphore_mem>>) src(%dma_wait3A_132 : memref<100000x128xf32, #tpu.memory_space<hbm>>) dst(%dma_wait3A_126 : memref<128x128xf32, #tpu.memory_space<vmem>>)
    %add3A_133 = arith.constant 6272 : i32
    %add3A_134 = arith.addi %mul3A_2, %add3A_133 : i32
    %multiple_of3A_135 = tpu.assume_multiple %add3A_134, 128 : i32
    %dma_start3A_136 = arith.constant 1 : i32
    %dma_start3A_137 = arith.constant 0 : i32
    %dma_start3A_138 = arith.constant 0 : i32
    %dma_start3A_139 = tpu.memref_slice %arg6[%dma_start3A_136, %dma_start3A_137, %dma_start3A_138] : memref<6x128x128xf32, #tpu.memory_space<vmem>> -> memref<1x128x128xf32, #tpu.memory_space<vmem>>
    %dma_start3A_140 = tpu.memref_squeeze %dma_start3A_139 : memref<1x128x128xf32, #tpu.memory_space<vmem>> -> memref<128x128xf32, #tpu.memory_space<vmem>>
    %dma_start3A_141 = arith.constant 0 : i32
    %dma_start3A_142 = tpu.memref_slice %arg4[%multiple_of3A_135, %dma_start3A_141] : memref<204800x128xf32, #tpu.memory_space<hbm>> -> memref<128x128xf32, #tpu.memory_space<hbm>>
    %dma_start3A_143 = arith.constant 0 : i32
    %dma_start3A_144 = tpu.memref_slice %arg4[%multiple_of3A_135, %dma_start3A_143] : memref<204800x128xf32, #tpu.memory_space<hbm>> -> memref<128x128xf32, #tpu.memory_space<hbm>>
    %dma_start3A_145 = arith.constant 0 : i32
    %dma_start3A_146 = arith.constant 0 : i32
    %dma_start3A_147 = tpu.memref_slice %arg6[%dma_start3A_136, %dma_start3A_145, %dma_start3A_146] : memref<6x128x128xf32, #tpu.memory_space<vmem>> -> memref<1x128x128xf32, #tpu.memory_space<vmem>>
    %dma_start3A_148 = tpu.memref_squeeze %dma_start3A_147 : memref<1x128x128xf32, #tpu.memory_space<vmem>> -> memref<128x128xf32, #tpu.memory_space<vmem>>
    tpu.enqueue_dma source(%dma_start3A_148 : memref<128x128xf32, #tpu.memory_space<vmem>>) target(%dma_start3A_144 : memref<128x128xf32, #tpu.memory_space<hbm>>) target_semaphore(%arg14 : memref<!tpu.dma_semaphore, #tpu.memory_space<semaphore_mem>>)
    %add3A_149 = arith.constant 6272 : i32
    %add3A_150 = arith.addi %mul3A_2, %add3A_149 : i32
    %multiple_of3A_151 = tpu.assume_multiple %add3A_150, 128 : i32
    %dma_wait3A_152 = arith.constant 1 : i32
    %dma_wait3A_153 = arith.constant 0 : i32
    %dma_wait3A_154 = arith.constant 0 : i32
    %dma_wait3A_155 = tpu.memref_slice %arg6[%dma_wait3A_152, %dma_wait3A_153, %dma_wait3A_154] : memref<6x128x128xf32, #tpu.memory_space<vmem>> -> memref<1x128x128xf32, #tpu.memory_space<vmem>>
    %dma_wait3A_156 = tpu.memref_squeeze %dma_wait3A_155 : memref<1x128x128xf32, #tpu.memory_space<vmem>> -> memref<128x128xf32, #tpu.memory_space<vmem>>
    %dma_wait3A_157 = arith.constant 0 : i32
    %dma_wait3A_158 = tpu.memref_slice %arg4[%multiple_of3A_151, %dma_wait3A_157] : memref<204800x128xf32, #tpu.memory_space<hbm>> -> memref<128x128xf32, #tpu.memory_space<hbm>>
    %dma_wait3A_159 = arith.constant 0 : i32
    %dma_wait3A_160 = tpu.memref_slice %arg4[%multiple_of3A_151, %dma_wait3A_159] : memref<204800x128xf32, #tpu.memory_space<hbm>> -> memref<128x128xf32, #tpu.memory_space<hbm>>
    %dma_wait3A_161 = arith.constant 0 : i32
    %dma_wait3A_162 = arith.constant 0 : i32
    %dma_wait3A_163 = tpu.memref_slice %arg6[%dma_wait3A_152, %dma_wait3A_161, %dma_wait3A_162] : memref<6x128x128xf32, #tpu.memory_space<vmem>> -> memref<1x128x128xf32, #tpu.memory_space<vmem>>
    %dma_wait3A_164 = tpu.memref_squeeze %dma_wait3A_163 : memref<1x128x128xf32, #tpu.memory_space<vmem>> -> memref<128x128xf32, #tpu.memory_space<vmem>>
    tpu.wait_dma2 semaphore(%arg14 : memref<!tpu.dma_semaphore, #tpu.memory_space<semaphore_mem>>) src(%dma_wait3A_164 : memref<128x128xf32, #tpu.memory_space<vmem>>) dst(%dma_wait3A_160 : memref<128x128xf32, #tpu.memory_space<hbm>>)
    return
  }
}

</mosaic_0001>

<sc_bundles>
// kernel: kernel.3.cloned.1.call-start
scs
__scs_entry_jumppad:
0x0: {  	(pc) =	sbr.rel $0x88, $3  }
0x1: {  	(tag) =	ssettag $0x0;
	lr =	simm.s32 $0x1  }
0x2: {  	[smem:$0x3F9F] =	sst lr;
	_ =	strace $0xD0000000  }
0x3: {  	_ = 	snop  }
0x4: {  	_ = 	snop  }
0x5: {  	_ = 	snop  }
0x6: {  	_ = 	snop  }
0x7: {  	_ = 	snop  }
__scs_overlays_trampoline_lowered:
0x8: {  	[smem:$0x3FAE] =	sst s0  }
0x9: {  	[smem:$0x3FAF] =	sst s1  }
0xa: {  	[smem:$0x3FB0] =	sst s2  }
0xb: {  	[smem:$0x3FB1] =	sst s3  }
0xc: {  	[smem:$0x3FB2] =	sst s4  }
0xd: {  	[smem:$0x3FB3] =	sst s5  }
0xe: {  	[smem:$0x3FB4] =	sst s6  }
0xf: {  	[smem:$0x3FB5] =	sst s7  }
0x10: {  	[smem:$0x3FB6] =	sst s8  }
0x11: {  	[smem:$0x3FB7] =	sst s9;
	s0 =	simm.s32 @!p0 $0x0  }
0x12: {  	s1 =	sld [smem:$0x3F9D];
	s0 =	simm.s32 @p0 $0x1  }
0x13: {  	[smem:$0x3FB8] =	sst s0;
	s0 =	simm.s32 @!p1 $0x0  }
0x14: {  	s2 =	sld [smem:$0x3F9C];
	s0 =	simm.s32 @p1 $0x1  }
0x15: {  	[smem:$0x3FB9] =	sst s0;
	s0 =	simm.s32 @!p2 $0x0  }
0x16: {  	s3 =	sld [smem:$0x3FDB];
	s0 =	simm.s32 @p2 $0x1  }
0x17: {  	s4 =	simm.s32 $0x1BF5;
	[smem:$0x3FBB] =	sst s0  }
0x18: {  	s0 =	sld [smem:$0x3F9E];
	_ =	swait.ge [sflag:s4], $0x0  }
0x19: {  	s7 =	sld [smem:$0x3F9F]  }
0x1a: {  	s8 =	sadd.s32 $0xFFFFE003, lr  }
0x1b: {  	s9 =	sadd.s32 $0xFFFFFEF7, lr;
	s5 =	simm.s32 $0xFFFFFFFF;
	p2 =	slt.u32 s8, $0xFFFFF086  }
0x1c: {  	p1 =	slt.u32 s9, $0xF7A;
	s5 =	simm.s32 @!p2 $0x0  }
0x1d: {  	s5 =	simm.s32 @p1 $0x1;
	p0 =	seq.s32 s7, s2  }
0x1e: {  	s7 =	smul.u32 @!p0 $0xF7A, s2;
	p2 =	seq.s32 @!p0 s5, $0x0  }
0x1f: {  	s9 =	smul.u32 $0xF7A, s1;
	s8 =	simm.s32 @!p0 $0x1BF5;
	p2 =	por !p2, p0  }
0x20: {  	[sflag:s8] =	ssyncset.s32 @!p0 $0xFFFFF086;
	s6 =	sadd.s32 @!p0 s3, s7;
	s7 =	simm.s32 @!p0 $0x108  }
0x21: {  	s3 =	sadd.s32 s3, s9;
	s6 =	sadd.s32 @!p0 $0x88, s6;
	s7 =	simm.s32 @p2 $0x1082  }
0x22: {  	[simem:s7], [sflag:s8] =	dma.local @!p0 [hbm:s6], $0xF7A  }
0x23: {  	s9 =	sor.u32 $0xD0000000, s2;
	s6 =	simm.s32 $0x108;
	_ =	swait.ge @!p0 [sflag:s8], $0x0  }
0x24: {  	s3 =	sadd.s32 $0x88, s3;
	s6 =	simm.s32 @!p1 $0x1082;
	[sflag:s4] =	ssyncset.s32 $0xFFFFF086  }
0x25: {  	[simem:s6], [sflag:s4] =	dma.local [hbm:s3], $0xF7A  }
0x26: {  	[smem:$0x3F9F] =	sst s1;
	(tag) =	ssettag s2;
	_ =	strace s9  }
0x27: {  	s1 =	sld [smem:$0x3FAF]  }
0x28: {  	s2 =	sld [smem:$0x3FB0]  }
0x29: {  	s4 =	sld [smem:$0x3FB2]  }
0x2a: {  	p0 =	seq.s32 s5, $0x0;
	s5 =	sld [smem:$0x3FB3]  }
0x2b: {  	s6 =	sld [smem:$0x3FB4]  }
0x2c: {  	s7 =	sld [smem:$0x3FB5]  }
0x2d: {  	s3 =	simm.s32 $0x108;
	s8 =	sld [smem:$0x3FB6]  }
0x2e: {  	s3 =	simm.s32 @!p0 $0x1082;
	s9 =	sld [smem:$0x3FB7]  }
0x2f: {  	lr =	sadd.s32 s0, s3;
	s0 =	sld [smem:$0x3FAE]  }
0x30: {  	s3 =	sld [smem:$0x3FB1]  }
0x31: {  	[smem:$0x3FBA] =	sst s10  }
0x32: {  	s10 =	sld [smem:$0x3FB8];
	_ =	sdelay $0x3  }
0x33: {  	p0 =	seq.s32 s10, $0x1;
	s10 =	sld [smem:$0x3FBA];
	_ =	sdelay $0x3  }
0x34: {  	[smem:$0x3FBA] =	sst s10  }
0x35: {  	s10 =	sld [smem:$0x3FB9];
	_ =	sdelay $0x3  }
0x36: {  	p1 =	seq.s32 s10, $0x1;
	s10 =	sld [smem:$0x3FBA];
	_ =	sdelay $0x3  }
0x37: {  	[smem:$0x3FBA] =	sst s10  }
0x38: {  	s10 =	sld [smem:$0x3FBB]  }
0x39: {  	_ = 	snop;
	(pc) =	sbr.ind lr, $3  }
0x3a: {  	_ = 	snop  }
0x3b: {  	_ = 	snop  }
0x3c: {  	p2 =	seq.s32 s10, $0x1;
	s10 =	sld [smem:$0x3FBA]  }
0x3d: {  	_ =	shalt  }
0x3e: {  	_ =	shalt  }
0x3f: {  	_ =	shalt  }
0x40: {  	_ =	shalt  }
0x41: {  	_ =	shalt  }
0x42: {  	_ =	shalt  }
0x43: {  	_ =	shalt  }
0x44: {  	_ =	shalt  }
0x45: {  	_ =	shalt  }
0x46: {  	_ =	shalt  }
0x47: {  	_ =	shalt  }
0x48: {  	_ =	shalt  }
0x49: {  	_ =	shalt  }
0x4a: {  	_ =	shalt  }
0x4b: {  	_ =	shalt  }
0x4c: {  	_ =	shalt  }
0x4d: {  	_ =	shalt  }
0x4e: {  	_ =	shalt  }
0x4f: {  	_ =	shalt  }
0x50: {  	_ =	shalt  }
0x51: {  	_ =	shalt  }
0x52: {  	_ =	shalt  }
0x53: {  	_ =	shalt  }
0x54: {  	_ =	shalt  }
0x55: {  	_ =	shalt  }
0x56: {  	_ =	shalt  }
0x57: {  	_ =	shalt  }
0x58: {  	_ =	shalt  }
0x59: {  	_ =	shalt  }
0x5a: {  	_ =	shalt  }
0x5b: {  	_ =	shalt  }
0x5c: {  	_ =	shalt  }
0x5d: {  	_ =	shalt  }
0x5e: {  	_ =	shalt  }
0x5f: {  	_ =	shalt  }
0x60: {  	_ =	shalt  }
0x61: {  	_ =	shalt  }
0x62: {  	_ =	shalt  }
0x63: {  	_ =	shalt  }
0x64: {  	_ =	shalt  }
0x65: {  	_ =	shalt  }
0x66: {  	_ =	shalt  }
0x67: {  	_ =	shalt  }
0x68: {  	_ =	shalt  }
0x69: {  	_ =	shalt  }
0x6a: {  	_ =	shalt  }
0x6b: {  	_ =	shalt  }
0x6c: {  	_ =	shalt  }
0x6d: {  	_ =	shalt  }
0x6e: {  	_ =	shalt  }
0x6f: {  	_ =	shalt  }
0x70: {  	_ =	shalt  }
0x71: {  	_ =	shalt  }
0x72: {  	_ =	shalt  }
0x73: {  	_ =	shalt  }
0x74: {  	_ =	shalt  }
0x75: {  	_ =	shalt  }
0x76: {  	_ =	shalt  }
0x77: {  	_ =	shalt  }
0x78: {  	_ =	shalt  }
0x79: {  	_ =	shalt  }
0x7a: {  	_ =	shalt  }
0x7b: {  	_ =	shalt  }
0x7c: {  	_ =	shalt  }
0x7d: {  	_ =	shalt  }
0x7e: {  	_ =	shalt  }
0x7f: {  	_ =	shalt  }
0x80: {  	_ =	shalt  }
0x81: {  	_ =	shalt  }
0x82: {  	_ =	shalt  }
0x83: {  	_ =	shalt  }
0x84: {  	_ =	shalt  }
0x85: {  	_ =	shalt  }
0x86: {  	_ =	shalt  }
0x87: {  	_ =	shalt  }
.Lfunc_end0:
.L_simem_size_0:
called_computation_lowered:
.L_overlay_start_0:
0x88: {  	s2 =	sld [smem:$0x3FD9]  }
0x89: {  	s3 =	sld [smem:$0x3FFE];
	_ =	sdelay $0x1  }
0x8a: {  	s1 =	srdreg.scid  }
0x8b: {  	s0 =	sand.u32 $0x1, s1  }
0x8c: {  	s17 =	sshll.u32 s0, $0xA;
	s2 =	sadd.s32 s3, s2  }
0x8d: {  	s2 =	sadd.s32 s2, s17  }
0x8e: {  	[smem:$0x3FC6] =	sst s2  }
0x8f: {  	_ = 	snop  }
0x90: {  	s2 =	sld [smem:$0x3FC8]  }
0x91: {  	s18 =	sld [smem:$0x3FD0];
	(tm) =	ssettm $0x1  }
0x92: {  	s4 =	sld [smem:$0x3FFB];
	_ =	sdelay $0x3  }
0x93: {  	_ =	strace s4  }
0x94: {  	s4 =	sld [smem:$0x3FFC];
	_ =	sdelay $0x3  }
0x95: {  	_ =	strace s4  }
0x96: {  	s4 =	sld [smem:$0x3FFD];
	_ =	sdelay $0x3  }
0x97: {  	_ =	strace s4  }
0x98: {  	_ =	strace $0x8FFFFFFF  }
0x99: {  	s19 =	sld [smem:$0x3FDB];
	_ =	sdelay $0x1  }
0x9a: {  	s5 =	simm.s32 $_scs_section_size  }
0x9b: {  	s6 =	simm.s32 $_size__tile_overlayer_lowered;
	s7 =	simm.s32 $_tile_overlayer_lowered  }
0x9c: {  	s22 =	simm.s32 $0x1BFF;
	s21 =	sshll.u32 s7, $0x1;
	s4 =	sadd.s32 s5, s19  }
0x9d: {  	s8 =	simm.s32 $0x0;
	s20 =	sshll.u32 s6, $0x1;
	s6 =	sadd.s32 s21, s4  }
0x9e: {  	[timem:s8], [sflag:s22] =	dma.local [hbm:s6], s20  }
0x9f: {  	_ =	swait.ge [sflag:s22], s20  }
0xa0: {  	s5 =	ssub.s32 $0x0, s20;
	[sflag:s22] =	ssyncset.done $0x0  }
0xa1: {  	[sflag:s22] =	ssyncadd.s32 s5;
	_ =	sdelay $0x1  }
0xa2: {  	s23 =	simm.s32 $0x1B8B  }
0xa3: {  	_ =	swait.ge [sflag:s23], $0x1  }
0xa4: {  	[sflag:s23] =	ssyncset.done $0x0  }
0xa5: {  	s25 =	simm.s32 $0x1B8E;
	s24 =	sld [smem:$0x3FFE];
	[sflag:s23] =	ssyncadd.s32 $0xFFFFFFFF  }
0xa6: {  	s26 =	simm.s32 $execute0_lowered;
	[smem:$0x3FD2] =	sst s25  }
0xa7: {  	s6 =	sshll.u32 s26, $0x1;
	_ =	strace $0x80000046;
	[dreg:$0x1] =	wrdreg $0xFFFFFFFF  }
0xa8: {  	s28 =	simm.s32 $_size_execute0_lowered;
	s4 =	sadd.s32 s4, s6;
	[dreg:$0x0] =	wrdreg $0x0  }
0xa9: {  	s6 =	sshll.u32 s28, $0x1;
	[dreg:$0x2] =	wrdreg s4  }
0xaa: {  	[dreg:$0x3] =	wrdreg s6  }
0xab: {  	[dreg:$0x4] =	wrdreg $0xC0  }
0xac: {  	_ =	task [dreg:s8], $0x5FFFF  }
0xad: {  	[dreg:$0x1] =	wrdreg $0xFFFFFFFF  }
0xae: {  	[dreg:$0x0] =	wrdreg $0x60  }
0xaf: {  	[dreg:$0x2] =	wrdreg s24  }
0xb0: {  	[dreg:$0x3] =	wrdreg s2  }
0xb1: {  	[dreg:$0x4] =	wrdreg s18  }
0xb2: {  	[dreg:$0x5] =	wrdreg $0x9  }
0xb3: {  	_ =	task.clear_ibuf [dreg:s8], $0x6FFFF;
	_ =	strace $0x90000046  }
0xb4: {  	s29 =	simm.s32 $0x9;
	_ =	strace $0x80000048  }
0xb5: {  	_ =	swait.ge [sflag:s29], $0x1  }
0xb6: {  	[sflag:s29] =	ssyncadd.s32 $0xFFFFFFFF  }
0xb7: {  	_ =	strace $0x90000048  }
0xb8: {  	_ =	sfence  }
0xb9: {  	s30 =	sld [smem:$0x0];
	_ =	sdelay $0x2  }
0xba: {  	s31 =	sshll.u32 s1, $0xD;
	s1 =	sshrl.u32 s1, $0x2  }
0xbb: {  	s3 =	sand.u32 $0x4000, s31;
	s1 =	sadd.s32 s1, s30  }
0xbc: {  	s0 =	sor.u32 s3, s0;
	s1 =	sshll.u32 s1, $0x11  }
0xbd: {  	s0 =	sor.u32 s1, s0  }
0xbe: {  	s0 =	sadd.s32 $0x8F2B, s0  }
0xbf: {  	[sflag:s0] =	ssyncadd.remote.s32 $0x1  }
0xc0: {  	_ =	sfence.sel $0xFFFF  }
0xc1: {  	[dreg:$0x0] =	wrdreg $0xFFFFFFFF;
	(pc) =	sbr.abs _section_cstart, $3  }
0xc2: {  	[dreg:$0x1] =	wrdreg $0xFFFFFFFF  }
0xc3: {  	_ =	task.clear_ibuf [dreg:s8], $0x2FFFF;
	_ =	strace $0x9FFFFFFF  }
0xc4: {  	(tm) =	ssettm $0x7FFFFFFF  }
0xc5: {  	_ =	shalt  }
tec
execute0_lowered:
.L_overlay_start_1:
0x0: {  	(tag) =	ssettag $0x1  }
0x1: {  	s0 =	srdreg.scid;
	s1 =	rddreg [dreg:$0x0]  }
0x2: {  	s11 =	stileid.u32;
	s2 =	rddreg [dreg:$0x1];
	s4 =	simm.s32 $0x0  }
0x3: {  	s12 =	simm.s32 $0x80;
	s13 =	simm.s32 $0x1C00;
	s14 =	simm.s32 $0x5C00  }
0x4: {  	s16 =	simm.s32 $0x9C00;
	s18 =	simm.s32 $0xDC00;
	s20 =	simm.s32 $0x11C00  }
0x5: {  	s28 =	simm.s32 $0x3;
	s29 =	simm.s32 $0x9;
	s9 =	smul.u32 $0x32000, s11  }
0x6: {  	s0 =	sand.u32 $0x1, s0;
	s3 =	sshll.u32 s11, $0x1;
	s11 =	smul.u32 $0x190000, s11  }
0x7: {  	s30 =	simm.s32 $0x4;
	s31 =	simm.s32 $0xA;
	s10 =	smul.u32 $0x19000, s0  }
0x8: {  	s5 =	sor.u32 s0, s3;
	s8 =	ssub.s32 $0x2, s0;
	s0 =	smul.u32 $0xC8000, s0  }
0x9: {  	s15 =	simm.s32 $0x6;
	s17 =	simm.s32 $0xC;
	s6 =	smul.u32 $0x380, s5  }
0xa: {  	s19 =	simm.s32 $0x0;
	[smem:$0x7FF] =	sst s4;
	s7 =	smul.u32 $0x19000, s5  }
0xb: {  	s3 =	rddreg [dreg:$0x2];
	_ =	strace $0x80000047;
	s5 =	smul.u32 $0xC8000, s5  }
0xc: {  	s22 =	sshrl.u32 s8, $0x1;
	s25 =	sadd.s32 s9, s3;
	s0 =	sadd.s32 s0, s11  }
0xd: {  	s1 =	sadd.s32 s6, s1;
	s6 =	ssub.s32 s8, s22;
	s24 =	sadd.s32 s3, s7  }
0xe: {  	s5 =	sshrl.u32 s5, $0x3;
	s0 =	sadd.s32 $0x18000, s0;
	[dreg:$0x5] =	wrdreg s24  }
0xf: {  	s22 =	simm.s32 $0x15C00;
	s1 =	sadd.s32 $0x400, s1;
	[dreg:$0x9] =	wrdreg s0  }
0x10: {  	s23 =	sadd.s32 s3, s5;
	s26 =	smax.u32 s6, $0x1;
	[dreg:$0x4] =	wrdreg s1  }
0x11: {  	s24 =	simm.s32 $0x7;
	s1 =	sadd.s32 $0x18800, s23;
	[dreg:$0x7] =	wrdreg s26  }
0x12: {  	s0 =	simm.s32 $0xB;
	[dreg:$0x6] =	wrdreg s1;
	s1 =	sadd.s32 s10, s25  }
0x13: {  	s23 =	simm.s32 $0x1;
	s26 =	simm.s32 $0x8;
	s1 =	sadd.s32 $0x2800, s1  }
0x14: {  	s25 =	simm.s32 $0x2;
	[dreg:$0x8] =	wrdreg s1;
	s1 =	simm.s32 $0x5  }
.LBB2_1:
0x15: {  	s5 =	rddreg [dreg:$0x4];
	s10 =	simm.s32 $0xD  }
0x16: {  	[tilespmem:s4], [sflag:$0xD] =	stream.linear.gather [hbm4b:s5+s4], $0x1900, $0x38;
	[tilespmem:$0x19C00] =	vst v63  }
0x17: {  	_ =	swait.ge [sflag:s10], $0x1900  }
0x18: {  	[sflag:s10] =	ssyncset.done $0x0  }
0x19: {  	[sflag:s10] =	ssyncadd.s32 $0xFFFFE700  }
0x1a: {  	[tilespmem:s13], [sflag:$0x1] =	stream.indirect.gather [hbm4b:s2+s12], $0x80, s4, s12, $0xb8;
	[tilespmem:$0x19C00] =	vst v63  }
0x1b: {  	_ = 	snop  }
0x1c: {  	[tilespmem:s14], [sflag:$0x2] =	stream.indirect.gather [hbm4b:s2+s12], $0x80, s12, s12, $0xb8;
	[tilespmem:$0x19C00] =	vst v63  }
0x1d: {  	s11 =	simm.s32 $0x100  }
0x1e: {  	[tilespmem:s16], [sflag:$0x3] =	stream.indirect.gather [hbm4b:s2+s12], $0x80, s11, s12, $0xb8;
	[tilespmem:$0x19C00] =	vst v63  }
0x1f: {  	s21 =	simm.s32 $0x180  }
0x20: {  	[tilespmem:s18], [sflag:$0x4] =	stream.indirect.gather [hbm4b:s2+s12], $0x80, s21, s12, $0xb8;
	[tilespmem:$0x19C00] =	vst v63  }
0x21: {  	s6 =	simm.s32 $0x200  }
0x22: {  	[tilespmem:s20], [sflag:$0x5] =	stream.indirect.gather [hbm4b:s2+s12], $0x80, s6, s12, $0xb8;
	[tilespmem:$0x19C00] =	vst v63  }
0x23: {  	s7 =	simm.s32 $0x280  }
0x24: {  	[tilespmem:s22], [sflag:$0x6] =	stream.indirect.gather [hbm4b:s2+s12], $0x80, s7, s12, $0xb8;
	[tilespmem:$0x19C00] =	vst v63  }
0x25: {  	_ =	swait.ge [sflag:s23], $0x4000  }
0x26: {  	[sflag:s23] =	ssyncset.done $0x0  }
0x27: {  	s8 =	rddreg [dreg:$0x5];
	[sflag:s23] =	ssyncadd.s32 $0xFFFFC000  }
0x28: {  	[hbm4b:s8+s4] =	stream.linear.scatter [tilespmem:s13], [sflag:$0x7], $0x4000, $0x38;
	[tilespmem:$0x19C00] =	vst v63  }
0x29: {  	_ =	swait.ge [sflag:s24], $0x4000  }
0x2a: {  	[sflag:s24] =	ssyncset.done $0x0  }
0x2b: {  	s9 =	simm.s32 $0x300;
	[sflag:s24] =	ssyncadd.s32 $0xFFFFC000  }
0x2c: {  	[tilespmem:s13], [sflag:$0x1] =	stream.indirect.gather [hbm4b:s2+s12], $0x80, s9, s12, $0xb8;
	[tilespmem:$0x19C00] =	vst v63  }
0x2d: {  	_ =	swait.ge [sflag:s25], $0x4000  }
0x2e: {  	[sflag:s25] =	ssyncset.done $0x0;
	s8 =	rddreg [dreg:$0x8]  }
0x2f: {  	[sflag:s25] =	ssyncadd.s32 $0xFFFFC000;
	s10 =	sadd.s32 $0xFFFFE000, s8  }
0x30: {  	[hbm4b:s10+s4] =	stream.linear.scatter [tilespmem:s14], [sflag:$0x8], $0x4000, $0x38;
	[tilespmem:$0x19C00] =	vst v63  }
0x31: {  	_ =	swait.ge [sflag:s26], $0x4000  }
0x32: {  	[sflag:s26] =	ssyncset.done $0x0  }
0x33: {  	s11 =	simm.s32 $0x380;
	[sflag:s26] =	ssyncadd.s32 $0xFFFFC000  }
0x34: {  	[tilespmem:s14], [sflag:$0x2] =	stream.indirect.gather [hbm4b:s2+s12], $0x80, s11, s12, $0xb8;
	[tilespmem:$0x19C00] =	vst v63  }
0x35: {  	_ =	swait.ge [sflag:s28], $0x4000  }
0x36: {  	[sflag:s28] =	ssyncset.done $0x0  }
0x37: {  	s21 =	sadd.s32 $0xFFFFE800, s8;
	[sflag:s28] =	ssyncadd.s32 $0xFFFFC000  }
0x38: {  	[hbm4b:s21+s4] =	stream.linear.scatter [tilespmem:s16], [sflag:$0x9], $0x4000, $0x38;
	[tilespmem:$0x19C00] =	vst v63  }
0x39: {  	p0 =	por $0x0, $0x0;
	_ =	swait.ge [sflag:s29], $0x4000  }
0x3a: {  	s5 =	simm.s32 @!p0 $0x9C00;
	[sflag:s29] =	ssyncset.done $0x0  }
0x3b: {  	s6 =	simm.s32 @!p0 $0x400;
	s7 =	simm.s32 @!p0 $0x80;
	[sflag:s29] =	ssyncadd.s32 $0xFFFFC000  }
0x3c: {  	[tilespmem:s5], [sflag:$0x3] =	stream.indirect.gather @!p0 [hbm4b:s2+s7], $0x80, s6, s7, $0xb8;
	[tilespmem:$0x19C00] =	vst v63  }
0x3d: {  	_ =	swait.ge [sflag:s30], $0x4000  }
0x3e: {  	[sflag:s30] =	ssyncset.done $0x0  }
0x3f: {  	s6 =	sadd.s32 $0xFFFFF000, s8;
	[sflag:s30] =	ssyncadd.s32 $0xFFFFC000  }
0x40: {  	[hbm4b:s6+s4] =	stream.linear.scatter [tilespmem:s18], [sflag:$0xA], $0x4000, $0x38;
	[tilespmem:$0x19C00] =	vst v63  }
0x41: {  	_ =	swait.ge [sflag:s31], $0x4000  }
0x42: {  	[sflag:s31] =	ssyncset.done $0x0  }
0x43: {  	s5 =	simm.s32 @!p0 $0x480;
	s6 =	simm.s32 @!p0 $0xDC00;
	[sflag:s31] =	ssyncadd.s32 $0xFFFFC000  }
0x44: {  	[tilespmem:s6], [sflag:$0x4] =	stream.indirect.gather @!p0 [hbm4b:s2+s7], $0x80, s5, s7, $0xb8;
	[tilespmem:$0x19C00] =	vst v63  }
0x45: {  	_ =	swait.ge [sflag:s1], $0x4000  }
0x46: {  	[sflag:s1] =	ssyncset.done $0x0  }
0x47: {  	s9 =	sadd.s32 $0xFFFFF800, s8;
	[sflag:s1] =	ssyncadd.s32 $0xFFFFC000  }
0x48: {  	[hbm4b:s9+s4] =	stream.linear.scatter [tilespmem:s20], [sflag:$0xB], $0x4000, $0x38;
	[tilespmem:$0x19C00] =	vst v63  }
0x49: {  	_ =	swait.ge [sflag:s0], $0x4000  }
0x4a: {  	[sflag:s0] =	ssyncset.done $0x0  }
0x4b: {  	s5 =	simm.s32 @!p0 $0x500;
	s6 =	simm.s32 @!p0 $0x11C00;
	[sflag:s0] =	ssyncadd.s32 $0xFFFFC000  }
0x4c: {  	[tilespmem:s6], [sflag:$0x5] =	stream.indirect.gather @!p0 [hbm4b:s2+s7], $0x80, s5, s7, $0xb8;
	[tilespmem:$0x19C00] =	vst v63  }
0x4d: {  	_ =	swait.ge [sflag:s15], $0x4000  }
0x4e: {  	[sflag:s15] =	ssyncset.done $0x0  }
0x4f: {  	[sflag:s15] =	ssyncadd.s32 $0xFFFFC000  }
0x50: {  	[hbm4b:s8+s4] =	stream.linear.scatter [tilespmem:s22], [sflag:$0xC], $0x4000, $0x38;
	[tilespmem:$0x19C00] =	vst v63  }
0x51: {  	_ =	swait.ge [sflag:s17], $0x4000  }
0x52: {  	[sflag:s17] =	ssyncset.done $0x0  }
0x53: {  	s5 =	simm.s32 @!p0 $0x580;
	s6 =	simm.s32 @!p0 $0x15C00;
	[sflag:s17] =	ssyncadd.s32 $0xFFFFC000  }
0x54: {  	[tilespmem:s6], [sflag:$0x6] =	stream.indirect.gather @!p0 [hbm4b:s2+s7], $0x80, s5, s7, $0xb8;
	[tilespmem:$0x19C00] =	vst v63  }
0x55: {  	_ =	swait.ge [sflag:s23], $0x4000  }
0x56: {  	s21 =	simm.s32 $0xC00;
	s10 =	rddreg [dreg:$0x9]  }
0x57: {  	s6 =	sadd.s32 $0x3000, s8;
	[sflag:s23] =	ssyncset.done $0x0;
	s11 =	sshrl.u32 s10, $0x3  }
0x58: {  	s5 =	sadd.s32 $0x18000, s10;
	[sflag:s23] =	ssyncadd.s32 $0xFFFFC000;
	s7 =	sadd.s32 s3, s11  }
.LBB2_2:
0x59: {  	[hbm4b:s7+s4] =	stream.linear.scatter [tilespmem:s13], [sflag:$0x7], $0x4000, $0x38;
	[tilespmem:$0x19C00] =	vst v63  }
0x5a: {  	s7 =	smov.u32 s21;
	s21 =	sadd.s32 $0xC00, s21;
	_ =	swait.ge [sflag:s24], $0x4000  }
0x5b: {  	s8 =	sshra.s32 s7, $0x2;
	p0 =	sne.s32 s21, $0x6000;
	[sflag:s24] =	ssyncset.done $0x0  }
0x5c: {  	s11 =	sadd.s32 $0x300, s8;
	[sflag:s24] =	ssyncadd.s32 $0xFFFFC000  }
0x5d: {  	[tilespmem:s13], [sflag:$0x1] =	stream.indirect.gather [hbm4b:s2+s12], $0x80, s11, s12, $0xb8;
	[tilespmem:$0x19C00] =	vst v63  }
0x5e: {  	_ =	swait.ge [sflag:s25], $0x4000  }
0x5f: {  	[sflag:s25] =	ssyncset.done $0x0  }
0x60: {  	s11 =	sadd.s32 $0xFFFFE000, s6;
	[sflag:s25] =	ssyncadd.s32 $0xFFFFC000  }
0x61: {  	[hbm4b:s11+s4] =	stream.linear.scatter [tilespmem:s14], [sflag:$0x8], $0x4000, $0x38;
	[tilespmem:$0x19C00] =	vst v63  }
0x62: {  	_ =	swait.ge [sflag:s26], $0x4000  }
0x63: {  	[sflag:s26] =	ssyncset.done $0x0  }
0x64: {  	s8 =	sadd.s32 $0x380, s8;
	[sflag:s26] =	ssyncadd.s32 $0xFFFFC000  }
0x65: {  	[tilespmem:s14], [sflag:$0x2] =	stream.indirect.gather [hbm4b:s2+s12], $0x80, s8, s12, $0xb8;
	[tilespmem:$0x19C00] =	vst v63  }
0x66: {  	_ =	swait.ge [sflag:s28], $0x4000  }
0x67: {  	[sflag:s28] =	ssyncset.done $0x0  }
0x68: {  	s8 =	sadd.s32 $0xFFFFE800, s6;
	[sflag:s28] =	ssyncadd.s32 $0xFFFFC000  }
0x69: {  	[hbm4b:s8+s4] =	stream.linear.scatter [tilespmem:s16], [sflag:$0x9], $0x4000, $0x38;
	[tilespmem:$0x19C00] =	vst v63  }
0x6a: {  	p1 =	seq.s32 s7, $0x5400;
	_ =	swait.ge [sflag:s29], $0x4000  }
0x6b: {  	s7 =	sshra.s32 @!p1 s7, $0x2;
	s8 =	simm.s32 @!p1 $0x9C00;
	[sflag:s29] =	ssyncset.done $0x0  }
0x6c: {  	s10 =	simm.s32 @!p1 $0x80;
	s11 =	sadd.s32 @!p1 $0x400, s7;
	[sflag:s29] =	ssyncadd.s32 $0xFFFFC000  }
0x6d: {  	[tilespmem:s8], [sflag:$0x3] =	stream.indirect.gather @!p1 [hbm4b:s2+s10], $0x80, s11, s10, $0xb8;
	[tilespmem:$0x19C00] =	vst v63  }
0x6e: {  	s8 =	sadd.s32 @!p1 $0x480, s7;
	s11 =	sadd.s32 @!p1 $0x500, s7;
	_ =	swait.ge [sflag:s30], $0x4000  }
0x6f: {  	s7 =	sadd.s32 @!p1 $0x580, s7;
	[sflag:s30] =	ssyncset.done $0x0  }
0x70: {  	s9 =	sadd.s32 $0xFFFFF000, s6;
	[sflag:s30] =	ssyncadd.s32 $0xFFFFC000  }
0x71: {  	[hbm4b:s9+s4] =	stream.linear.scatter [tilespmem:s18], [sflag:$0xA], $0x4000, $0x38;
	[tilespmem:$0x19C00] =	vst v63  }
0x72: {  	_ =	swait.ge [sflag:s31], $0x4000  }
0x73: {  	[sflag:s31] =	ssyncset.done $0x0  }
0x74: {  	s9 =	simm.s32 @!p1 $0xDC00;
	[sflag:s31] =	ssyncadd.s32 $0xFFFFC000  }
0x75: {  	[tilespmem:s9], [sflag:$0x4] =	stream.indirect.gather @!p1 [hbm4b:s2+s10], $0x80, s8, s10, $0xb8;
	[tilespmem:$0x19C00] =	vst v63  }
0x76: {  	_ =	swait.ge [sflag:s1], $0x4000  }
0x77: {  	[sflag:s1] =	ssyncset.done $0x0  }
0x78: {  	s8 =	sadd.s32 $0xFFFFF800, s6;
	[sflag:s1] =	ssyncadd.s32 $0xFFFFC000  }
0x79: {  	[hbm4b:s8+s4] =	stream.linear.scatter [tilespmem:s20], [sflag:$0xB], $0x4000, $0x38;
	[tilespmem:$0x19C00] =	vst v63  }
0x7a: {  	_ =	swait.ge [sflag:s0], $0x4000  }
0x7b: {  	[sflag:s0] =	ssyncset.done $0x0  }
0x7c: {  	s8 =	simm.s32 @!p1 $0x11C00;
	[sflag:s0] =	ssyncadd.s32 $0xFFFFC000  }
0x7d: {  	[tilespmem:s8], [sflag:$0x5] =	stream.indirect.gather @!p1 [hbm4b:s2+s10], $0x80, s11, s10, $0xb8;
	[tilespmem:$0x19C00] =	vst v63  }
0x7e: {  	_ =	swait.ge [sflag:s15], $0x4000  }
0x7f: {  	[sflag:s15] =	ssyncset.done $0x0  }
0x80: {  	[sflag:s15] =	ssyncadd.s32 $0xFFFFC000  }
0x81: {  	[hbm4b:s6+s4] =	stream.linear.scatter [tilespmem:s22], [sflag:$0xC], $0x4000, $0x38;
	[tilespmem:$0x19C00] =	vst v63  }
0x82: {  	_ =	swait.ge [sflag:s17], $0x4000  }
0x83: {  	[sflag:s17] =	ssyncset.done $0x0  }
.Ltmp0:
0x84: {  	s8 =	simm.s32 @!p1 $0x15C00;
	[sflag:s17] =	ssyncadd.s32 $0xFFFFC000;
	(pc) =	sbr.rel @p0 .LBB2_2-.Ltmp0, $4  }
0x85: {  	[tilespmem:s8], [sflag:$0x6] =	stream.indirect.gather @!p1 [hbm4b:s2+s10], $0x80, s7, s10, $0xb8;
	[tilespmem:$0x19C00] =	vst v63  }
0x86: {  	_ =	swait.ge [sflag:s23], $0x4000  }
0x87: {  	s7 =	sshrl.u32 s5, $0x3;
	s5 =	sadd.s32 $0x18000, s5;
	[sflag:s23] =	ssyncset.done $0x0  }
0x88: {  	s6 =	sadd.s32 $0x3000, s6;
	s7 =	sadd.s32 s3, s7;
	[sflag:s23] =	ssyncadd.s32 $0xFFFFC000  }
0x89: {  	[hbm4b:s7+s4] =	stream.linear.scatter [tilespmem:s13], [sflag:$0x7], $0x4000, $0x38;
	[tilespmem:$0x19C00] =	vst v63  }
0x8a: {  	_ =	swait.ge [sflag:s24], $0x4000  }
0x8b: {  	[sflag:s24] =	ssyncset.done $0x0  }
0x8c: {  	[sflag:s24] =	ssyncadd.s32 $0xFFFFC000  }
0x8d: {  	_ =	swait.ge [sflag:s25], $0x4000  }
0x8e: {  	[sflag:s25] =	ssyncset.done $0x0  }
0x8f: {  	s5 =	rddreg [dreg:$0x6];
	[sflag:s25] =	ssyncadd.s32 $0xFFFFC000  }
0x90: {  	[hbm4b:s5+s4] =	stream.linear.scatter [tilespmem:s14], [sflag:$0x8], $0x4000, $0x38;
	[tilespmem:$0x19C00] =	vst v63  }
0x91: {  	_ =	swait.ge [sflag:s26], $0x4000  }
0x92: {  	s19 =	sadd.s32 $0x1, s19;
	s21 =	rddreg [dreg:$0x7]  }
0x93: {  	p0 =	sne.s32 s19, s21  }
.Ltmp1:
0x94: {  	_ = 	snop;
	(pc) =	sbr.rel @p0 .LBB2_1-.Ltmp1, $3  }
0x95: {  	_ =	sdelay $0x1  }
0x96: {  	[sflag:s26] =	ssyncset.done $0x0  }
0x97: {  	[sflag:s26] =	ssyncadd.s32 $0xFFFFC000  }
0x98: {  	_ =	sfence.sel $0x180000  }
0x99: {  	[bflag:$0x0] =	sbarrier.arrive $0xFFFF  }
0x9a: {  	_ =	strace $0x90000047  }
0x9b: {  	s0 =	stileid.u32;
	[bflag:$0x2] =	sbarrier.arrive $0xFFFF  }
0x9c: {  	p0 =	sne.s32 s0, $0x0;
	s0 =	rddreg [dreg:$0x3]  }
0x9d: {  	s0 =	sadd.s32 @!p0 $0x100000, s0  }
0x9e: {  	[sflag:s0] =	ssyncadd.tile.s32 @!p0 $0x1;
	_ =	shalt  }
.Lfunc_end2:
_tile_overlayer_lowered:
.L_overlay_start_2:
0x9f: {  	(tag) =	ssettag $0x2  }
0xa0: {  	s0 =	rddreg [dreg:$0x0];
	s2 =	stileid.u32  }
0xa1: {  	s1 =	rddreg [dreg:$0x1];
	p0 =	sne.s32 s2, $0x0  }
0xa2: {  	s3 =	rddreg [dreg:$0x2];
	[bflag:$0x3] =	sbarrier.arrive $0xFFFF;
	s2 =	simm.s32 @!p0 $0x1C0D  }
0xa3: {  	[timem:s3], [sflag:s2] =	dma.local @!p0 [hbm:s0], s1  }
0xa4: {  	s0 =	simm.s32 @!p0 $0xD  }
0xa5: {  	_ =	swait.ge @!p0 [sflag:s0], s1  }
0xa6: {  	s1 =	ssub.s32 @!p0 $0x0, s1;
	[sflag:s0] =	ssyncset.done @!p0 $0x0  }
0xa7: {  	[sflag:s0] =	ssyncadd.s32 @!p0 s1  }
0xa8: {  	[bflag:$0x3] =	sbarrier.arrive $0xFFFF  }
0xa9: {  	_ =	shalt  }

</sc_bundles>
